<compile_context>
chip_gen: v7x
topology: tpu7x:2x2x1
jax: 0.10.2.dev20260603
libtpu: 0.0.44.dev20260713+nightly
codegen_flags: <defaults>
</compile_context>

<pallas_src>
import functools

import jax
import jax.numpy as jnp
from jax import lax
from jax.experimental import pallas as pl
from jax.experimental.pallas import tpu as pltpu
from jax.experimental.pallas import tpu_sc as plsc

B = 16384
E = 128
NC = 2
NS = 16
L = 16
NW = NC * NS
BPW = B // NW
C = 128
NCHUNK = BPW // C
NROW = B // C


_mesh = plsc.VectorSubcoreMesh(core_axis_name="c", subcore_axis_name="s")


@functools.partial(
    pl.kernel,
    mesh=_mesh,
    out_type=[
        jax.ShapeDtypeStruct((NW * L,), jnp.float32),
        jax.ShapeDtypeStruct((NROW, C), jnp.float32),
        jax.ShapeDtypeStruct((NROW, C), jnp.float32),
    ],
    scratch_types=[
        pltpu.VMEM((BPW,), jnp.int32),
        pltpu.VMEM((BPW,), jnp.int32),
        pltpu.VMEM((3, C, E), jnp.float32),
        pltpu.VMEM((3, C, E), jnp.float32),
        pltpu.VMEM((NCHUNK, C), jnp.float32),
        pltpu.VMEM((NCHUNK, C), jnp.float32),
        pltpu.VMEM((L,), jnp.float32),
        pltpu.SemaphoreType.DMA,
        pltpu.SemaphoreType.DMA,
        pltpu.SemaphoreType.DMA,
        pltpu.SemaphoreType.DMA,
        pltpu.SemaphoreType.DMA,
        pltpu.SemaphoreType.DMA,
        pltpu.SemaphoreType.DMA,
        pltpu.SemaphoreType.DMA,
    ],
)
def _sc_gather_dot(idx_hbm, uemb_hbm, ubias_hbm, memb_hbm,
                   mbias_hbm, part_hbm, ubg_hbm, mbg_hbm,
                   uidx_v, midx_v, urow_v, mrow_v, ub_v, mb_v, acc_v,
                   sem_u0, sem_u1, sem_u2, sem_m0, sem_m1, sem_m2,
                   sem_ub, sem_mb):
    wid = lax.axis_index("s") * NC + lax.axis_index("c")
    cbase = wid * NCHUNK
    base = wid * BPW
    u_cp0 = pltpu.async_copy(idx_hbm.at[pl.ds(base, BPW)], uidx_v, sem_u0)
    m_cp0 = pltpu.async_copy(idx_hbm.at[pl.ds(B + base, BPW)], midx_v,
                             sem_m0)
    u_cp0.wait()
    m_cp0.wait()
    sem_u = (sem_u0, sem_u1, sem_u2)
    sem_m = (sem_m0, sem_m1, sem_m2)

    DEPTH = 3

    def fire(c):
        b = c % DEPTH
        sl = pl.ds(c * C, C)
        return (pltpu.async_copy(uemb_hbm.at[uidx_v.at[sl]], urow_v.at[b],
                                 sem_u[b]),
                pltpu.async_copy(memb_hbm.at[midx_v.at[sl]], mrow_v.at[b],
                                 sem_m[b]))

    acc = jnp.zeros((L,), jnp.float32)
    cps = [None] * DEPTH
    bias_cps = []
    for c in range(DEPTH - 1):
        cps[c] = fire(c)
    for c in range(NCHUNK):
        b = c % DEPTH
        if c + DEPTH - 1 < NCHUNK:
            cps[(c + DEPTH - 1) % DEPTH] = fire(c + DEPTH - 1)
        bsl = pl.ds(c * C, C)
        bias_cps.append(
            pltpu.async_copy(ubias_hbm.at[uidx_v.at[bsl]], ub_v.at[c],
                             sem_ub))
        bias_cps.append(
            pltpu.async_copy(mbias_hbm.at[midx_v.at[bsl]], mb_v.at[c],
                             sem_mb))
        cps[b][0].wait()
        cps[b][1].wait()

        def body(r, a, b=b):
            for e in range(E // L):
                a = a + (urow_v[b, r, pl.ds(e * L, L)]
                         * mrow_v[b, r, pl.ds(e * L, L)])
            return a

        acc = lax.fori_loop(0, C, body, acc, unroll=2)
    acc_v[...] = acc
    pltpu.sync_copy(acc_v, part_hbm.at[pl.ds(wid * L, L)])
    for cp in bias_cps:
        cp.wait()
    pltpu.sync_copy(ub_v, ubg_hbm.at[pl.ds(cbase, NCHUNK)])
    pltpu.sync_copy(mb_v, mbg_hbm.at[pl.ds(cbase, NCHUNK)])


def _combine(p_ref, ub_ref, mb_ref, o_ref):
    s = jnp.sum(p_ref[...])
    o_ref[...] = jax.nn.sigmoid(s + ub_ref[...] + mb_ref[...])


def kernel(inputs, user_emb, user_bias_table, movie_emb, movie_bias_table):
    idx_flat = inputs.T.reshape(-1)
    ub_flat = jnp.pad(user_bias_table, ((0, 352), (0, 0))).reshape(-1)
    mb_flat = jnp.pad(movie_bias_table, ((0, 352), (0, 0))).reshape(-1)
    partials, ubg, mbg = _sc_gather_dot(
        idx_flat, user_emb, ub_flat, movie_emb, mb_flat)
    out2d = pl.pallas_call(
        _combine,
        out_shape=jax.ShapeDtypeStruct((NROW, C), jnp.float32),
    )(partials.reshape(NW * L // C, C), ubg, mbg)
    return out2d.reshape(B, 1)

# --- scband reference (transcript-rebuilt; emitter-appended) ---
"""Pipeline reference for scband-nerual-cfnet-1391569404147 (READ-ONLY COPY).

The authoritative reference and input builder live on the scoring server;
editing this copy changes nothing except your own understanding.
"""

import jax, jax.numpy as jnp
import numpy as np

USERS = 100000
MOVIES = 100000
EMB = 128
BATCH = 16384

def setup_inputs(seed: int = 0) -> dict:
    key = jax.random.key(seed)
    k1, k2, k3, k4, k5 = jax.random.split(key, 5)
    inputs = jax.random.randint(k1, (BATCH, 2), 0, USERS, dtype=jnp.int64 if jax.config.jax_enable_x64 else jnp.int32)
    # he_normal init: stddev = sqrt(2 / fan_in); keras Embedding fan_in = emb_size here per he_normal on (vocab, emb)
    user_emb = jax.random.normal(k2, (USERS, EMB), dtype=jnp.float32) * np.sqrt(2.0 / EMB)
    user_bias = jnp.zeros((USERS, 1), dtype=jnp.float32) + jax.random.uniform(k3, (USERS, 1), minval=-0.05, maxval=0.05)
    movie_emb = jax.random.normal(k4, (MOVIES, EMB), dtype=jnp.float32) * np.sqrt(2.0 / EMB)
    movie_bias = jnp.zeros((MOVIES, 1), dtype=jnp.float32) + jax.random.uniform(k5, (MOVIES, 1), minval=-0.05, maxval=0.05)
    return {"inputs": inputs, "user_emb": user_emb, "user_bias_table": user_bias, "movie_emb": movie_emb, "movie_bias_table": movie_bias}

def reference(inputs, user_emb, user_bias_table, movie_emb, movie_bias_table):
    user_vector = jnp.take(user_emb, inputs[:, 0], axis=0)          # [B, E]
    user_bias = jnp.take(user_bias_table, inputs[:, 0], axis=0)     # [B, 1]
    movie_vector = jnp.take(movie_emb, inputs[:, 1], axis=0)        # [B, E]
    movie_bias = jnp.take(movie_bias_table, inputs[:, 1], axis=0)   # [B, 1]
    # tf.tensordot(user_vector, movie_vector, 2) contracts BOTH axes -> scalar (faithful to original)
    dot_user_movie = jnp.tensordot(user_vector, movie_vector, 2)
    x = dot_user_movie + user_bias + movie_bias                     # broadcast scalar -> [B, 1]
    return jax.nn.sigmoid(x)

if __name__ == "__main__":
    import jax
    _d = setup_inputs()
    print(jax.jit(kernel)(*tuple(_d.values())))

</pallas_src>

<mosaic_0001>
#map = affine_map<(d0, d1) -> (0)>
#map1 = affine_map<(d0, d1) -> (0, 0)>
module attributes {stable_mosaic.version = 14 : i64} {
  func.func @_sc_gather_dot(%arg0: i32, %arg1: i32, %arg2: memref<32768xi32, #tpu.memory_space<hbm>>, %arg3: memref<100000x128xf32, #tpu.memory_space<hbm>>, %arg4: memref<100352xf32, #tpu.memory_space<hbm>>, %arg5: memref<100000x128xf32, #tpu.memory_space<hbm>>, %arg6: memref<100352xf32, #tpu.memory_space<hbm>>, %arg7: memref<512xf32, #tpu.memory_space<hbm>>, %arg8: memref<128x128xf32, #tpu.memory_space<hbm>>, %arg9: memref<128x128xf32, #tpu.memory_space<hbm>>, %arg10: memref<512xi32, #tpu.memory_space<vmem>>, %arg11: memref<512xi32, #tpu.memory_space<vmem>>, %arg12: memref<3x128x128xf32, #tpu.memory_space<vmem>>, %arg13: memref<3x128x128xf32, #tpu.memory_space<vmem>>, %arg14: memref<4x128xf32, #tpu.memory_space<vmem>>, %arg15: memref<4x128xf32, #tpu.memory_space<vmem>>, %arg16: memref<16xf32, #tpu.memory_space<vmem>>, %arg17: memref<!tpu.dma_semaphore, #tpu.memory_space<semaphore_mem>>, %arg18: memref<!tpu.dma_semaphore, #tpu.memory_space<semaphore_mem>>, %arg19: memref<!tpu.dma_semaphore, #tpu.memory_space<semaphore_mem>>, %arg20: memref<!tpu.dma_semaphore, #tpu.memory_space<semaphore_mem>>, %arg21: memref<!tpu.dma_semaphore, #tpu.memory_space<semaphore_mem>>, %arg22: memref<!tpu.dma_semaphore, #tpu.memory_space<semaphore_mem>>, %arg23: memref<!tpu.dma_semaphore, #tpu.memory_space<semaphore_mem>>, %arg24: memref<!tpu.dma_semaphore, #tpu.memory_space<semaphore_mem>>) attributes {dimension_semantics = [#tpu.dimension_semantics<core_parallel>, #tpu.dimension_semantics<subcore_parallel>], iteration_bounds = array<i64: 2, 16>, scalar_prefetch = 0 : i64, scratch_operands = 15 : i64, tpu.core_type = #tpu.core_type<sc_vector_subcore>, window_params = [{transform_indices = #map}, {transform_indices = #map1}, {transform_indices = #map}, {transform_indices = #map1}, {transform_indices = #map}, {transform_indices = #map}, {transform_indices = #map1}, {transform_indices = #map1}]} {
    %mul3A = arith.constant 2 : i32
    %mul3A_0 = arith.muli %arg1, %mul3A : i32
    %add3A = arith.addi %mul3A_0, %arg0 : i32
    %mul3A_1 = arith.constant 4 : i32
    %mul3A_2 = arith.muli %add3A, %mul3A_1 : i32
    %mul3A_3 = arith.constant 512 : i32
    %mul3A_4 = arith.muli %add3A, %mul3A_3 : i32
    %dma_start3A = tpu.memref_slice %arg2[%mul3A_4] : memref<32768xi32, #tpu.memory_space<hbm>> -> memref<512xi32, #tpu.memory_space<hbm>>
    %dma_start3A_5 = tpu.memref_slice %arg2[%mul3A_4] : memref<32768xi32, #tpu.memory_space<hbm>> -> memref<512xi32, #tpu.memory_space<hbm>>
    tpu.enqueue_dma source(%dma_start3A_5 : memref<512xi32, #tpu.memory_space<hbm>>) target(%arg10 : memref<512xi32, #tpu.memory_space<vmem>>) target_semaphore(%arg17 : memref<!tpu.dma_semaphore, #tpu.memory_space<semaphore_mem>>)
    %add3A_6 = arith.constant 16384 : i32
    %add3A_7 = arith.addi %add3A_6, %mul3A_4 : i32
    %dma_start3A_8 = tpu.memref_slice %arg2[%add3A_7] : memref<32768xi32, #tpu.memory_space<hbm>> -> memref<512xi32, #tpu.memory_space<hbm>>
    %dma_start3A_9 = tpu.memref_slice %arg2[%add3A_7] : memref<32768xi32, #tpu.memory_space<hbm>> -> memref<512xi32, #tpu.memory_space<hbm>>
    tpu.enqueue_dma source(%dma_start3A_9 : memref<512xi32, #tpu.memory_space<hbm>>) target(%arg11 : memref<512xi32, #tpu.memory_space<vmem>>) target_semaphore(%arg20 : memref<!tpu.dma_semaphore, #tpu.memory_space<semaphore_mem>>)
    %dma_wait3A = tpu.memref_slice %arg2[%mul3A_4] : memref<32768xi32, #tpu.memory_space<hbm>> -> memref<512xi32, #tpu.memory_space<hbm>>
    %dma_wait3A_10 = tpu.memref_slice %arg2[%mul3A_4] : memref<32768xi32, #tpu.memory_space<hbm>> -> memref<512xi32, #tpu.memory_space<hbm>>
    tpu.wait_dma2 semaphore(%arg17 : memref<!tpu.dma_semaphore, #tpu.memory_space<semaphore_mem>>) src(%dma_wait3A_10 : memref<512xi32, #tpu.memory_space<hbm>>) dst(%arg10 : memref<512xi32, #tpu.memory_space<vmem>>)
    %dma_wait3A_11 = tpu.memref_slice %arg2[%add3A_7] : memref<32768xi32, #tpu.memory_space<hbm>> -> memref<512xi32, #tpu.memory_space<hbm>>
    %dma_wait3A_12 = tpu.memref_slice %arg2[%add3A_7] : memref<32768xi32, #tpu.memory_space<hbm>> -> memref<512xi32, #tpu.memory_space<hbm>>
    tpu.wait_dma2 semaphore(%arg20 : memref<!tpu.dma_semaphore, #tpu.memory_space<semaphore_mem>>) src(%dma_wait3A_12 : memref<512xi32, #tpu.memory_space<hbm>>) dst(%arg11 : memref<512xi32, #tpu.memory_space<vmem>>)
    %broadcast_in_dim3A = arith.constant 0.000000e+00 : f32
    %broadcast_in_dim3A_13 = vector.broadcast %broadcast_in_dim3A : f32 to vector<16xf32>
    %dma_start3A_14 = arith.constant 0 : i32
    %dma_start3A_15 = arith.constant 0 : i32
    %dma_start3A_16 = arith.constant 0 : i32
    %dma_start3A_17 = tpu.memref_slice %arg12[%dma_start3A_14, %dma_start3A_15, %dma_start3A_16] : memref<3x128x128xf32, #tpu.memory_space<vmem>> -> memref<1x128x128xf32, #tpu.memory_space<vmem>>
    %dma_start3A_18 = tpu.memref_squeeze %dma_start3A_17 : memref<1x128x128xf32, #tpu.memory_space<vmem>> -> memref<128x128xf32, #tpu.memory_space<vmem>>
    %dma_start3A_19 = arith.constant 0 : i32
    %dma_start3A_20 = tpu.memref_slice %arg10[%dma_start3A_19] : memref<512xi32, #tpu.memory_space<vmem>> -> memref<128xi32, #tpu.memory_space<vmem>>
    %dma_start3A_21 = arith.constant 0 : i32
    %dma_start3A_22 = arith.constant 0 : i32
    %dma_start3A_23 = tpu.memref_slice %arg3[%dma_start3A_21, %dma_start3A_22] : memref<100000x128xf32, #tpu.memory_space<hbm>> -> memref<100000x128xf32, #tpu.memory_space<hbm>>
    tpu.enqueue_indirect_dma source(%dma_start3A_23 : memref<100000x128xf32, #tpu.memory_space<hbm>>) target(%dma_start3A_18 : memref<128x128xf32, #tpu.memory_space<vmem>>) offsets(%dma_start3A_20 : memref<128xi32, #tpu.memory_space<vmem>>) semaphore(%arg17 : memref<!tpu.dma_semaphore, #tpu.memory_space<semaphore_mem>>)
    %dma_start3A_24 = arith.constant 0 : i32
    %dma_start3A_25 = arith.constant 0 : i32
    %dma_start3A_26 = arith.constant 0 : i32
    %dma_start3A_27 = tpu.memref_slice %arg13[%dma_start3A_24, %dma_start3A_25, %dma_start3A_26] : memref<3x128x128xf32, #tpu.memory_space<vmem>> -> memref<1x128x128xf32, #tpu.memory_space<vmem>>
    %dma_start3A_28 = tpu.memref_squeeze %dma_start3A_27 : memref<1x128x128xf32, #tpu.memory_space<vmem>> -> memref<128x128xf32, #tpu.memory_space<vmem>>
    %dma_start3A_29 = arith.constant 0 : i32
    %dma_start3A_30 = tpu.memref_slice %arg11[%dma_start3A_29] : memref<512xi32, #tpu.memory_space<vmem>> -> memref<128xi32, #tpu.memory_space<vmem>>
    %dma_start3A_31 = arith.constant 0 : i32
    %dma_start3A_32 = arith.constant 0 : i32
    %dma_start3A_33 = tpu.memref_slice %arg5[%dma_start3A_31, %dma_start3A_32] : memref<100000x128xf32, #tpu.memory_space<hbm>> -> memref<100000x128xf32, #tpu.memory_space<hbm>>
    tpu.enqueue_indirect_dma source(%dma_start3A_33 : memref<100000x128xf32, #tpu.memory_space<hbm>>) target(%dma_start3A_28 : memref<128x128xf32, #tpu.memory_space<vmem>>) offsets(%dma_start3A_30 : memref<128xi32, #tpu.memory_space<vmem>>) semaphore(%arg20 : memref<!tpu.dma_semaphore, #tpu.memory_space<semaphore_mem>>)
    %dma_start3A_34 = arith.constant 1 : i32
    %dma_start3A_35 = arith.constant 0 : i32
    %dma_start3A_36 = arith.constant 0 : i32
    %dma_start3A_37 = tpu.memref_slice %arg12[%dma_start3A_34, %dma_start3A_35, %dma_start3A_36] : memref<3x128x128xf32, #tpu.memory_space<vmem>> -> memref<1x128x128xf32, #tpu.memory_space<vmem>>
    %dma_start3A_38 = tpu.memref_squeeze %dma_start3A_37 : memref<1x128x128xf32, #tpu.memory_space<vmem>> -> memref<128x128xf32, #tpu.memory_space<vmem>>
    %dma_start3A_39 = arith.constant 128 : i32
    %dma_start3A_40 = tpu.memref_slice %arg10[%dma_start3A_39] : memref<512xi32, #tpu.memory_space<vmem>> -> memref<128xi32, #tpu.memory_space<vmem>>
    %dma_start3A_41 = arith.constant 0 : i32
    %dma_start3A_42 = arith.constant 0 : i32
    %dma_start3A_43 = tpu.memref_slice %arg3[%dma_start3A_41, %dma_start3A_42] : memref<100000x128xf32, #tpu.memory_space<hbm>> -> memref<100000x128xf32, #tpu.memory_space<hbm>>
    tpu.enqueue_indirect_dma source(%dma_start3A_43 : memref<100000x128xf32, #tpu.memory_space<hbm>>) target(%dma_start3A_38 : memref<128x128xf32, #tpu.memory_space<vmem>>) offsets(%dma_start3A_40 : memref<128xi32, #tpu.memory_space<vmem>>) semaphore(%arg18 : memref<!tpu.dma_semaphore, #tpu.memory_space<semaphore_mem>>)
    %dma_start3A_44 = arith.constant 1 : i32
    %dma_start3A_45 = arith.constant 0 : i32
    %dma_start3A_46 = arith.constant 0 : i32
    %dma_start3A_47 = tpu.memref_slice %arg13[%dma_start3A_44, %dma_start3A_45, %dma_start3A_46] : memref<3x128x128xf32, #tpu.memory_space<vmem>> -> memref<1x128x128xf32, #tpu.memory_space<vmem>>
    %dma_start3A_48 = tpu.memref_squeeze %dma_start3A_47 : memref<1x128x128xf32, #tpu.memory_space<vmem>> -> memref<128x128xf32, #tpu.memory_space<vmem>>
    %dma_start3A_49 = arith.constant 128 : i32
    %dma_start3A_50 = tpu.memref_slice %arg11[%dma_start3A_49] : memref<512xi32, #tpu.memory_space<vmem>> -> memref<128xi32, #tpu.memory_space<vmem>>
    %dma_start3A_51 = arith.constant 0 : i32
    %dma_start3A_52 = arith.constant 0 : i32
    %dma_start3A_53 = tpu.memref_slice %arg5[%dma_start3A_51, %dma_start3A_52] : memref<100000x128xf32, #tpu.memory_space<hbm>> -> memref<100000x128xf32, #tpu.memory_space<hbm>>
    tpu.enqueue_indirect_dma source(%dma_start3A_53 : memref<100000x128xf32, #tpu.memory_space<hbm>>) target(%dma_start3A_48 : memref<128x128xf32, #tpu.memory_space<vmem>>) offsets(%dma_start3A_50 : memref<128xi32, #tpu.memory_space<vmem>>) semaphore(%arg21 : memref<!tpu.dma_semaphore, #tpu.memory_space<semaphore_mem>>)
    %dma_start3A_54 = arith.constant 2 : i32
    %dma_start3A_55 = arith.constant 0 : i32
    %dma_start3A_56 = arith.constant 0 : i32
    %dma_start3A_57 = tpu.memref_slice %arg12[%dma_start3A_54, %dma_start3A_55, %dma_start3A_56] : memref<3x128x128xf32, #tpu.memory_space<vmem>> -> memref<1x128x128xf32, #tpu.memory_space<vmem>>
    %dma_start3A_58 = tpu.memref_squeeze %dma_start3A_57 : memref<1x128x128xf32, #tpu.memory_space<vmem>> -> memref<128x128xf32, #tpu.memory_space<vmem>>
    %dma_start3A_59 = arith.constant 256 : i32
    %dma_start3A_60 = tpu.memref_slice %arg10[%dma_start3A_59] : memref<512xi32, #tpu.memory_space<vmem>> -> memref<128xi32, #tpu.memory_space<vmem>>
    %dma_start3A_61 = arith.constant 0 : i32
    %dma_start3A_62 = arith.constant 0 : i32
    %dma_start3A_63 = tpu.memref_slice %arg3[%dma_start3A_61, %dma_start3A_62] : memref<100000x128xf32, #tpu.memory_space<hbm>> -> memref<100000x128xf32, #tpu.memory_space<hbm>>
    tpu.enqueue_indirect_dma source(%dma_start3A_63 : memref<100000x128xf32, #tpu.memory_space<hbm>>) target(%dma_start3A_58 : memref<128x128xf32, #tpu.memory_space<vmem>>) offsets(%dma_start3A_60 : memref<128xi32, #tpu.memory_space<vmem>>) semaphore(%arg19 : memref<!tpu.dma_semaphore, #tpu.memory_space<semaphore_mem>>)
    %dma_start3A_64 = arith.constant 2 : i32
    %dma_start3A_65 = arith.constant 0 : i32
    %dma_start3A_66 = arith.constant 0 : i32
    %dma_start3A_67 = tpu.memref_slice %arg13[%dma_start3A_64, %dma_start3A_65, %dma_start3A_66] : memref<3x128x128xf32, #tpu.memory_space<vmem>> -> memref<1x128x128xf32, #tpu.memory_space<vmem>>
    %dma_start3A_68 = tpu.memref_squeeze %dma_start3A_67 : memref<1x128x128xf32, #tpu.memory_space<vmem>> -> memref<128x128xf32, #tpu.memory_space<vmem>>
    %dma_start3A_69 = arith.constant 256 : i32
    %dma_start3A_70 = tpu.memref_slice %arg11[%dma_start3A_69] : memref<512xi32, #tpu.memory_space<vmem>> -> memref<128xi32, #tpu.memory_space<vmem>>
    %dma_start3A_71 = arith.constant 0 : i32
    %dma_start3A_72 = arith.constant 0 : i32
    %dma_start3A_73 = tpu.memref_slice %arg5[%dma_start3A_71, %dma_start3A_72] : memref<100000x128xf32, #tpu.memory_space<hbm>> -> memref<100000x128xf32, #tpu.memory_space<hbm>>
    tpu.enqueue_indirect_dma source(%dma_start3A_73 : memref<100000x128xf32, #tpu.memory_space<hbm>>) target(%dma_start3A_68 : memref<128x128xf32, #tpu.memory_space<vmem>>) offsets(%dma_start3A_70 : memref<128xi32, #tpu.memory_space<vmem>>) semaphore(%arg22 : memref<!tpu.dma_semaphore, #tpu.memory_space<semaphore_mem>>)
    %dma_start3A_74 = arith.constant 0 : i32
    %dma_start3A_75 = arith.constant 0 : i32
    %dma_start3A_76 = tpu.memref_slice %arg14[%dma_start3A_74, %dma_start3A_75] : memref<4x128xf32, #tpu.memory_space<vmem>> -> memref<1x128xf32, #tpu.memory_space<vmem>>
    %dma_start3A_77 = tpu.memref_squeeze %dma_start3A_76 : memref<1x128xf32, #tpu.memory_space<vmem>> -> memref<128xf32, #tpu.memory_space<vmem>>
    %dma_start3A_78 = arith.constant 0 : i32
    %dma_start3A_79 = tpu.memref_slice %arg10[%dma_start3A_78] : memref<512xi32, #tpu.memory_space<vmem>> -> memref<128xi32, #tpu.memory_space<vmem>>
    %dma_start3A_80 = arith.constant 0 : i32
    %dma_start3A_81 = tpu.memref_slice %arg4[%dma_start3A_80] : memref<100352xf32, #tpu.memory_space<hbm>> -> memref<100352xf32, #tpu.memory_space<hbm>>
    tpu.enqueue_indirect_dma source(%dma_start3A_81 : memref<100352xf32, #tpu.memory_space<hbm>>) target(%dma_start3A_77 : memref<128xf32, #tpu.memory_space<vmem>>) offsets(%dma_start3A_79 : memref<128xi32, #tpu.memory_space<vmem>>) semaphore(%arg23 : memref<!tpu.dma_semaphore, #tpu.memory_space<semaphore_mem>>)
    %dma_start3A_82 = arith.constant 0 : i32
    %dma_start3A_83 = arith.constant 0 : i32
    %dma_start3A_84 = tpu.memref_slice %arg15[%dma_start3A_82, %dma_start3A_83] : memref<4x128xf32, #tpu.memory_space<vmem>> -> memref<1x128xf32, #tpu.memory_space<vmem>>
    %dma_start3A_85 = tpu.memref_squeeze %dma_start3A_84 : memref<1x128xf32, #tpu.memory_space<vmem>> -> memref<128xf32, #tpu.memory_space<vmem>>
    %dma_start3A_86 = arith.constant 0 : i32
    %dma_start3A_87 = tpu.memref_slice %arg11[%dma_start3A_86] : memref<512xi32, #tpu.memory_space<vmem>> -> memref<128xi32, #tpu.memory_space<vmem>>
    %dma_start3A_88 = arith.constant 0 : i32
    %dma_start3A_89 = tpu.memref_slice %arg6[%dma_start3A_88] : memref<100352xf32, #tpu.memory_space<hbm>> -> memref<100352xf32, #tpu.memory_space<hbm>>
    tpu.enqueue_indirect_dma source(%dma_start3A_89 : memref<100352xf32, #tpu.memory_space<hbm>>) target(%dma_start3A_85 : memref<128xf32, #tpu.memory_space<vmem>>) offsets(%dma_start3A_87 : memref<128xi32, #tpu.memory_space<vmem>>) semaphore(%arg24 : memref<!tpu.dma_semaphore, #tpu.memory_space<semaphore_mem>>)
    %dma_wait3A_90 = arith.constant 0 : i32
    %dma_wait3A_91 = arith.constant 0 : i32
    %dma_wait3A_92 = arith.constant 0 : i32
    %dma_wait3A_93 = tpu.memref_slice %arg12[%dma_wait3A_90, %dma_wait3A_91, %dma_wait3A_92] : memref<3x128x128xf32, #tpu.memory_space<vmem>> -> memref<1x128x128xf32, #tpu.memory_space<vmem>>
    %dma_wait3A_94 = tpu.memref_squeeze %dma_wait3A_93 : memref<1x128x128xf32, #tpu.memory_space<vmem>> -> memref<128x128xf32, #tpu.memory_space<vmem>>
    %dma_wait3A_95 = arith.constant 0 : i32
    %dma_wait3A_96 = tpu.memref_slice %arg10[%dma_wait3A_95] : memref<512xi32, #tpu.memory_space<vmem>> -> memref<128xi32, #tpu.memory_space<vmem>>
    %dma_wait3A_97 = arith.constant 0 : i32
    %dma_wait3A_98 = arith.constant 0 : i32
    %dma_wait3A_99 = tpu.memref_slice %arg3[%dma_wait3A_97, %dma_wait3A_98] : memref<100000x128xf32, #tpu.memory_space<hbm>> -> memref<100000x128xf32, #tpu.memory_space<hbm>>
    tpu.wait_indirect_dma semaphore(%arg17 : memref<!tpu.dma_semaphore, #tpu.memory_space<semaphore_mem>>) src(%dma_wait3A_99 : memref<100000x128xf32, #tpu.memory_space<hbm>>) dst(%dma_wait3A_94 : memref<128x128xf32, #tpu.memory_space<vmem>>)
    %dma_wait3A_100 = arith.constant 0 : i32
    %dma_wait3A_101 = arith.constant 0 : i32
    %dma_wait3A_102 = arith.constant 0 : i32
    %dma_wait3A_103 = tpu.memref_slice %arg13[%dma_wait3A_100, %dma_wait3A_101, %dma_wait3A_102] : memref<3x128x128xf32, #tpu.memory_space<vmem>> -> memref<1x128x128xf32, #tpu.memory_space<vmem>>
    %dma_wait3A_104 = tpu.memref_squeeze %dma_wait3A_103 : memref<1x128x128xf32, #tpu.memory_space<vmem>> -> memref<128x128xf32, #tpu.memory_space<vmem>>
    %dma_wait3A_105 = arith.constant 0 : i32
    %dma_wait3A_106 = tpu.memref_slice %arg11[%dma_wait3A_105] : memref<512xi32, #tpu.memory_space<vmem>> -> memref<128xi32, #tpu.memory_space<vmem>>
    %dma_wait3A_107 = arith.constant 0 : i32
    %dma_wait3A_108 = arith.constant 0 : i32
    %dma_wait3A_109 = tpu.memref_slice %arg5[%dma_wait3A_107, %dma_wait3A_108] : memref<100000x128xf32, #tpu.memory_space<hbm>> -> memref<100000x128xf32, #tpu.memory_space<hbm>>
    tpu.wait_indirect_dma semaphore(%arg20 : memref<!tpu.dma_semaphore, #tpu.memory_space<semaphore_mem>>) src(%dma_wait3A_109 : memref<100000x128xf32, #tpu.memory_space<hbm>>) dst(%dma_wait3A_104 : memref<128x128xf32, #tpu.memory_space<vmem>>)
    %scan3A = arith.constant 0 : i32
    %scan3A_110 = arith.constant 128 : i32
    %scan3A_111 = arith.addi %scan3A, %scan3A_110 : i32
    %scan3A_112 = arith.constant 2 : i32
    %scan3A_113 = scf.for %scan3A_330 = %scan3A to %scan3A_111 step %scan3A_112 iter_args(%scan3A_331 = %broadcast_in_dim3A_13) -> (vector<16xf32>)  : i32 {
      %get3A = arith.constant 0 : i32
      %get3A_332 = arith.index_cast %get3A : i32 to index
      %get3A_333 = arith.index_cast %scan3A_330 : i32 to index
      %get3A_334 = arith.constant 0 : index
      %get3A_335 = tpu.vector_load %arg12[%get3A_332, %get3A_333, %get3A_334] {strides = array<i32>} : memref<3x128x128xf32, #tpu.memory_space<vmem>>, vector<1x1x16xf32>,
      %get3A_336 = vector.shape_cast %get3A_335 : vector<1x1x16xf32> to vector<16xf32>
      %get3A_337 = arith.constant 0 : i32
      %get3A_338 = arith.index_cast %get3A_337 : i32 to index
      %get3A_339 = arith.index_cast %scan3A_330 : i32 to index
      %get3A_340 = arith.constant 0 : index
      %get3A_341 = tpu.vector_load %arg13[%get3A_338, %get3A_339, %get3A_340] {strides = array<i32>} : memref<3x128x128xf32, #tpu.memory_space<vmem>>, vector<1x1x16xf32>,
      %get3A_342 = vector.shape_cast %get3A_341 : vector<1x1x16xf32> to vector<16xf32>
      %mul3A_343 = arith.mulf %get3A_336, %get3A_342 : vector<16xf32>
      %add3A_344 = arith.addf %scan3A_331, %mul3A_343 : vector<16xf32>
      %get3A_345 = arith.constant 0 : i32
      %get3A_346 = arith.index_cast %get3A_345 : i32 to index
      %get3A_347 = arith.index_cast %scan3A_330 : i32 to index
      %get3A_348 = arith.constant 16 : index
      %get3A_349 = tpu.vector_load %arg12[%get3A_346, %get3A_347, %get3A_348] {strides = array<i32>} : memref<3x128x128xf32, #tpu.memory_space<vmem>>, vector<1x1x16xf32>,
      %get3A_350 = vector.shape_cast %get3A_349 : vector<1x1x16xf32> to vector<16xf32>
      %get3A_351 = arith.constant 0 : i32
      %get3A_352 = arith.index_cast %get3A_351 : i32 to index
      %get3A_353 = arith.index_cast %scan3A_330 : i32 to index
      %get3A_354 = arith.constant 16 : index
      %get3A_355 = tpu.vector_load %arg13[%get3A_352, %get3A_353, %get3A_354] {strides = array<i32>} : memref<3x128x128xf32, #tpu.memory_space<vmem>>, vector<1x1x16xf32>,
      %get3A_356 = vector.shape_cast %get3A_355 : vector<1x1x16xf32> to vector<16xf32>
      %mul3A_357 = arith.mulf %get3A_350, %get3A_356 : vector<16xf32>
      %add3A_358 = arith.addf %add3A_344, %mul3A_357 : vector<16xf32>
      %get3A_359 = arith.constant 0 : i32
      %get3A_360 = arith.index_cast %get3A_359 : i32 to index
      %get3A_361 = arith.index_cast %scan3A_330 : i32 to index
      %get3A_362 = arith.constant 32 : index
      %get3A_363 = tpu.vector_load %arg12[%get3A_360, %get3A_361, %get3A_362] {strides = array<i32>} : memref<3x128x128xf32, #tpu.memory_space<vmem>>, vector<1x1x16xf32>,
      %get3A_364 = vector.shape_cast %get3A_363 : vector<1x1x16xf32> to vector<16xf32>
      %get3A_365 = arith.constant 0 : i32
      %get3A_366 = arith.index_cast %get3A_365 : i32 to index
      %get3A_367 = arith.index_cast %scan3A_330 : i32 to index
      %get3A_368 = arith.constant 32 : index
      %get3A_369 = tpu.vector_load %arg13[%get3A_366, %get3A_367, %get3A_368] {strides = array<i32>} : memref<3x128x128xf32, #tpu.memory_space<vmem>>, vector<1x1x16xf32>,
      %get3A_370 = vector.shape_cast %get3A_369 : vector<1x1x16xf32> to vector<16xf32>
      %mul3A_371 = arith.mulf %get3A_364, %get3A_370 : vector<16xf32>
      %add3A_372 = arith.addf %add3A_358, %mul3A_371 : vector<16xf32>
      %get3A_373 = arith.constant 0 : i32
      %get3A_374 = arith.index_cast %get3A_373 : i32 to index
      %get3A_375 = arith.index_cast %scan3A_330 : i32 to index
      %get3A_376 = arith.constant 48 : index
      %get3A_377 = tpu.vector_load %arg12[%get3A_374, %get3A_375, %get3A_376] {strides = array<i32>} : memref<3x128x128xf32, #tpu.memory_space<vmem>>, vector<1x1x16xf32>,
      %get3A_378 = vector.shape_cast %get3A_377 : vector<1x1x16xf32> to vector<16xf32>
      %get3A_379 = arith.constant 0 : i32
      %get3A_380 = arith.index_cast %get3A_379 : i32 to index
      %get3A_381 = arith.index_cast %scan3A_330 : i32 to index
      %get3A_382 = arith.constant 48 : index
      %get3A_383 = tpu.vector_load %arg13[%get3A_380, %get3A_381, %get3A_382] {strides = array<i32>} : memref<3x128x128xf32, #tpu.memory_space<vmem>>, vector<1x1x16xf32>,
      %get3A_384 = vector.shape_cast %get3A_383 : vector<1x1x16xf32> to vector<16xf32>
      %mul3A_385 = arith.mulf %get3A_378, %get3A_384 : vector<16xf32>
      %add3A_386 = arith.addf %add3A_372, %mul3A_385 : vector<16xf32>
      %get3A_387 = arith.constant 0 : i32
      %get3A_388 = arith.index_cast %get3A_387 : i32 to index
      %get3A_389 = arith.index_cast %scan3A_330 : i32 to index
      %get3A_390 = arith.constant 64 : index
      %get3A_391 = tpu.vector_load %arg12[%get3A_388, %get3A_389, %get3A_390] {strides = array<i32>} : memref<3x128x128xf32, #tpu.memory_space<vmem>>, vector<1x1x16xf32>,
      %get3A_392 = vector.shape_cast %get3A_391 : vector<1x1x16xf32> to vector<16xf32>
      %get3A_393 = arith.constant 0 : i32
      %get3A_394 = arith.index_cast %get3A_393 : i32 to index
      %get3A_395 = arith.index_cast %scan3A_330 : i32 to index
      %get3A_396 = arith.constant 64 : index
      %get3A_397 = tpu.vector_load %arg13[%get3A_394, %get3A_395, %get3A_396] {strides = array<i32>} : memref<3x128x128xf32, #tpu.memory_space<vmem>>, vector<1x1x16xf32>,
      %get3A_398 = vector.shape_cast %get3A_397 : vector<1x1x16xf32> to vector<16xf32>
      %mul3A_399 = arith.mulf %get3A_392, %get3A_398 : vector<16xf32>
      %add3A_400 = arith.addf %add3A_386, %mul3A_399 : vector<16xf32>
      %get3A_401 = arith.constant 0 : i32
      %get3A_402 = arith.index_cast %get3A_401 : i32 to index
      %get3A_403 = arith.index_cast %scan3A_330 : i32 to index
      %get3A_404 = arith.constant 80 : index
      %get3A_405 = tpu.vector_load %arg12[%get3A_402, %get3A_403, %get3A_404] {strides = array<i32>} : memref<3x128x128xf32, #tpu.memory_space<vmem>>, vector<1x1x16xf32>,
      %get3A_406 = vector.shape_cast %get3A_405 : vector<1x1x16xf32> to vector<16xf32>
      %get3A_407 = arith.constant 0 : i32
      %get3A_408 = arith.index_cast %get3A_407 : i32 to index
      %get3A_409 = arith.index_cast %scan3A_330 : i32 to index
      %get3A_410 = arith.constant 80 : index
      %get3A_411 = tpu.vector_load %arg13[%get3A_408, %get3A_409, %get3A_410] {strides = array<i32>} : memref<3x128x128xf32, #tpu.memory_space<vmem>>, vector<1x1x16xf32>,
      %get3A_412 = vector.shape_cast %get3A_411 : vector<1x1x16xf32> to vector<16xf32>
      %mul3A_413 = arith.mulf %get3A_406, %get3A_412 : vector<16xf32>
      %add3A_414 = arith.addf %add3A_400, %mul3A_413 : vector<16xf32>
      %get3A_415 = arith.constant 0 : i32
      %get3A_416 = arith.index_cast %get3A_415 : i32 to index
      %get3A_417 = arith.index_cast %scan3A_330 : i32 to index
      %get3A_418 = arith.constant 96 : index
      %get3A_419 = tpu.vector_load %arg12[%get3A_416, %get3A_417, %get3A_418] {strides = array<i32>} : memref<3x128x128xf32, #tpu.memory_space<vmem>>, vector<1x1x16xf32>,
      %get3A_420 = vector.shape_cast %get3A_419 : vector<1x1x16xf32> to vector<16xf32>
      %get3A_421 = arith.constant 0 : i32
      %get3A_422 = arith.index_cast %get3A_421 : i32 to index
      %get3A_423 = arith.index_cast %scan3A_330 : i32 to index
      %get3A_424 = arith.constant 96 : index
      %get3A_425 = tpu.vector_load %arg13[%get3A_422, %get3A_423, %get3A_424] {strides = array<i32>} : memref<3x128x128xf32, #tpu.memory_space<vmem>>, vector<1x1x16xf32>,
      %get3A_426 = vector.shape_cast %get3A_425 : vector<1x1x16xf32> to vector<16xf32>
      %mul3A_427 = arith.mulf %get3A_420, %get3A_426 : vector<16xf32>
      %add3A_428 = arith.addf %add3A_414, %mul3A_427 : vector<16xf32>
      %get3A_429 = arith.constant 0 : i32
      %get3A_430 = arith.index_cast %get3A_429 : i32 to index
      %get3A_431 = arith.index_cast %scan3A_330 : i32 to index
      %get3A_432 = arith.constant 112 : index
      %get3A_433 = tpu.vector_load %arg12[%get3A_430, %get3A_431, %get3A_432] {strides = array<i32>} : memref<3x128x128xf32, #tpu.memory_space<vmem>>, vector<1x1x16xf32>,
      %get3A_434 = vector.shape_cast %get3A_433 : vector<1x1x16xf32> to vector<16xf32>
      %get3A_435 = arith.constant 0 : i32
      %get3A_436 = arith.index_cast %get3A_435 : i32 to index
      %get3A_437 = arith.index_cast %scan3A_330 : i32 to index
      %get3A_438 = arith.constant 112 : index
      %get3A_439 = tpu.vector_load %arg13[%get3A_436, %get3A_437, %get3A_438] {strides = array<i32>} : memref<3x128x128xf32, #tpu.memory_space<vmem>>, vector<1x1x16xf32>,
      %get3A_440 = vector.shape_cast %get3A_439 : vector<1x1x16xf32> to vector<16xf32>
      %mul3A_441 = arith.mulf %get3A_434, %get3A_440 : vector<16xf32>
      %add3A_442 = arith.addf %add3A_428, %mul3A_441 : vector<16xf32>
      %scan3A_443 = arith.constant 1 : i32
      %scan3A_444 = arith.addi %scan3A_330, %scan3A_443 : i32
      %get3A_445 = arith.constant 0 : i32
      %get3A_446 = arith.index_cast %get3A_445 : i32 to index
      %get3A_447 = arith.index_cast %scan3A_444 : i32 to index
      %get3A_448 = arith.constant 0 : index
      %get3A_449 = tpu.vector_load %arg12[%get3A_446, %get3A_447, %get3A_448] {strides = array<i32>} : memref<3x128x128xf32, #tpu.memory_space<vmem>>, vector<1x1x16xf32>,
      %get3A_450 = vector.shape_cast %get3A_449 : vector<1x1x16xf32> to vector<16xf32>
      %get3A_451 = arith.constant 0 : i32
      %get3A_452 = arith.index_cast %get3A_451 : i32 to index
      %get3A_453 = arith.index_cast %scan3A_444 : i32 to index
      %get3A_454 = arith.constant 0 : index
      %get3A_455 = tpu.vector_load %arg13[%get3A_452, %get3A_453, %get3A_454] {strides = array<i32>} : memref<3x128x128xf32, #tpu.memory_space<vmem>>, vector<1x1x16xf32>,
      %get3A_456 = vector.shape_cast %get3A_455 : vector<1x1x16xf32> to vector<16xf32>
      %mul3A_457 = arith.mulf %get3A_450, %get3A_456 : vector<16xf32>
      %add3A_458 = arith.addf %add3A_442, %mul3A_457 : vector<16xf32>
      %get3A_459 = arith.constant 0 : i32
      %get3A_460 = arith.index_cast %get3A_459 : i32 to index
      %get3A_461 = arith.index_cast %scan3A_444 : i32 to index
      %get3A_462 = arith.constant 16 : index
      %get3A_463 = tpu.vector_load %arg12[%get3A_460, %get3A_461, %get3A_462] {strides = array<i32>} : memref<3x128x128xf32, #tpu.memory_space<vmem>>, vector<1x1x16xf32>,
      %get3A_464 = vector.shape_cast %get3A_463 : vector<1x1x16xf32> to vector<16xf32>
      %get3A_465 = arith.constant 0 : i32
      %get3A_466 = arith.index_cast %get3A_465 : i32 to index
      %get3A_467 = arith.index_cast %scan3A_444 : i32 to index
      %get3A_468 = arith.constant 16 : index
      %get3A_469 = tpu.vector_load %arg13[%get3A_466, %get3A_467, %get3A_468] {strides = array<i32>} : memref<3x128x128xf32, #tpu.memory_space<vmem>>, vector<1x1x16xf32>,
      %get3A_470 = vector.shape_cast %get3A_469 : vector<1x1x16xf32> to vector<16xf32>
      %mul3A_471 = arith.mulf %get3A_464, %get3A_470 : vector<16xf32>
      %add3A_472 = arith.addf %add3A_458, %mul3A_471 : vector<16xf32>
      %get3A_473 = arith.constant 0 : i32
      %get3A_474 = arith.index_cast %get3A_473 : i32 to index
      %get3A_475 = arith.index_cast %scan3A_444 : i32 to index
      %get3A_476 = arith.constant 32 : index
      %get3A_477 = tpu.vector_load %arg12[%get3A_474, %get3A_475, %get3A_476] {strides = array<i32>} : memref<3x128x128xf32, #tpu.memory_space<vmem>>, vector<1x1x16xf32>,
      %get3A_478 = vector.shape_cast %get3A_477 : vector<1x1x16xf32> to vector<16xf32>
      %get3A_479 = arith.constant 0 : i32
      %get3A_480 = arith.index_cast %get3A_479 : i32 to index
      %get3A_481 = arith.index_cast %scan3A_444 : i32 to index
      %get3A_482 = arith.constant 32 : index
      %get3A_483 = tpu.vector_load %arg13[%get3A_480, %get3A_481, %get3A_482] {strides = array<i32>} : memref<3x128x128xf32, #tpu.memory_space<vmem>>, vector<1x1x16xf32>,
      %get3A_484 = vector.shape_cast %get3A_483 : vector<1x1x16xf32> to vector<16xf32>
      %mul3A_485 = arith.mulf %get3A_478, %get3A_484 : vector<16xf32>
      %add3A_486 = arith.addf %add3A_472, %mul3A_485 : vector<16xf32>
      %get3A_487 = arith.constant 0 : i32
      %get3A_488 = arith.index_cast %get3A_487 : i32 to index
      %get3A_489 = arith.index_cast %scan3A_444 : i32 to index
      %get3A_490 = arith.constant 48 : index
      %get3A_491 = tpu.vector_load %arg12[%get3A_488, %get3A_489, %get3A_490] {strides = array<i32>} : memref<3x128x128xf32, #tpu.memory_space<vmem>>, vector<1x1x16xf32>,
      %get3A_492 = vector.shape_cast %get3A_491 : vector<1x1x16xf32> to vector<16xf32>
      %get3A_493 = arith.constant 0 : i32
      %get3A_494 = arith.index_cast %get3A_493 : i32 to index
      %get3A_495 = arith.index_cast %scan3A_444 : i32 to index
      %get3A_496 = arith.constant 48 : index
      %get3A_497 = tpu.vector_load %arg13[%get3A_494, %get3A_495, %get3A_496] {strides = array<i32>} : memref<3x128x128xf32, #tpu.memory_space<vmem>>, vector<1x1x16xf32>,
      %get3A_498 = vector.shape_cast %get3A_497 : vector<1x1x16xf32> to vector<16xf32>
      %mul3A_499 = arith.mulf %get3A_492, %get3A_498 : vector<16xf32>
      %add3A_500 = arith.addf %add3A_486, %mul3A_499 : vector<16xf32>
      %get3A_501 = arith.constant 0 : i32
      %get3A_502 = arith.index_cast %get3A_501 : i32 to index
      %get3A_503 = arith.index_cast %scan3A_444 : i32 to index
      %get3A_504 = arith.constant 64 : index
      %get3A_505 = tpu.vector_load %arg12[%get3A_502, %get3A_503, %get3A_504] {strides = array<i32>} : memref<3x128x128xf32, #tpu.memory_space<vmem>>, vector<1x1x16xf32>,
      %get3A_506 = vector.shape_cast %get3A_505 : vector<1x1x16xf32> to vector<16xf32>
      %get3A_507 = arith.constant 0 : i32
      %get3A_508 = arith.index_cast %get3A_507 : i32 to index
      %get3A_509 = arith.index_cast %scan3A_444 : i32 to index
      %get3A_510 = arith.constant 64 : index
      %get3A_511 = tpu.vector_load %arg13[%get3A_508, %get3A_509, %get3A_510] {strides = array<i32>} : memref<3x128x128xf32, #tpu.memory_space<vmem>>, vector<1x1x16xf32>,
      %get3A_512 = vector.shape_cast %get3A_511 : vector<1x1x16xf32> to vector<16xf32>
      %mul3A_513 = arith.mulf %get3A_506, %get3A_512 : vector<16xf32>
      %add3A_514 = arith.addf %add3A_500, %mul3A_513 : vector<16xf32>
      %get3A_515 = arith.constant 0 : i32
      %get3A_516 = arith.index_cast %get3A_515 : i32 to index
      %get3A_517 = arith.index_cast %scan3A_444 : i32 to index
      %get3A_518 = arith.constant 80 : index
      %get3A_519 = tpu.vector_load %arg12[%get3A_516, %get3A_517, %get3A_518] {strides = array<i32>} : memref<3x128x128xf32, #tpu.memory_space<vmem>>, vector<1x1x16xf32>,
      %get3A_520 = vector.shape_cast %get3A_519 : vector<1x1x16xf32> to vector<16xf32>
      %get3A_521 = arith.constant 0 : i32
      %get3A_522 = arith.index_cast %get3A_521 : i32 to index
      %get3A_523 = arith.index_cast %scan3A_444 : i32 to index
      %get3A_524 = arith.constant 80 : index
      %get3A_525 = tpu.vector_load %arg13[%get3A_522, %get3A_523, %get3A_524] {strides = array<i32>} : memref<3x128x128xf32, #tpu.memory_space<vmem>>, vector<1x1x16xf32>,
      %get3A_526 = vector.shape_cast %get3A_525 : vector<1x1x16xf32> to vector<16xf32>
      %mul3A_527 = arith.mulf %get3A_520, %get3A_526 : vector<16xf32>
      %add3A_528 = arith.addf %add3A_514, %mul3A_527 : vector<16xf32>
      %get3A_529 = arith.constant 0 : i32
      %get3A_530 = arith.index_cast %get3A_529 : i32 to index
      %get3A_531 = arith.index_cast %scan3A_444 : i32 to index
      %get3A_532 = arith.constant 96 : index
      %get3A_533 = tpu.vector_load %arg12[%get3A_530, %get3A_531, %get3A_532] {strides = array<i32>} : memref<3x128x128xf32, #tpu.memory_space<vmem>>, vector<1x1x16xf32>,
      %get3A_534 = vector.shape_cast %get3A_533 : vector<1x1x16xf32> to vector<16xf32>
      %get3A_535 = arith.constant 0 : i32
      %get3A_536 = arith.index_cast %get3A_535 : i32 to index
      %get3A_537 = arith.index_cast %scan3A_444 : i32 to index
      %get3A_538 = arith.constant 96 : index
      %get3A_539 = tpu.vector_load %arg13[%get3A_536, %get3A_537, %get3A_538] {strides = array<i32>} : memref<3x128x128xf32, #tpu.memory_space<vmem>>, vector<1x1x16xf32>,
      %get3A_540 = vector.shape_cast %get3A_539 : vector<1x1x16xf32> to vector<16xf32>
      %mul3A_541 = arith.mulf %get3A_534, %get3A_540 : vector<16xf32>
      %add3A_542 = arith.addf %add3A_528, %mul3A_541 : vector<16xf32>
      %get3A_543 = arith.constant 0 : i32
      %get3A_544 = arith.index_cast %get3A_543 : i32 to index
      %get3A_545 = arith.index_cast %scan3A_444 : i32 to index
      %get3A_546 = arith.constant 112 : index
      %get3A_547 = tpu.vector_load %arg12[%get3A_544, %get3A_545, %get3A_546] {strides = array<i32>} : memref<3x128x128xf32, #tpu.memory_space<vmem>>, vector<1x1x16xf32>,
      %get3A_548 = vector.shape_cast %get3A_547 : vector<1x1x16xf32> to vector<16xf32>
      %get3A_549 = arith.constant 0 : i32
      %get3A_550 = arith.index_cast %get3A_549 : i32 to index
      %get3A_551 = arith.index_cast %scan3A_444 : i32 to index
      %get3A_552 = arith.constant 112 : index
      %get3A_553 = tpu.vector_load %arg13[%get3A_550, %get3A_551, %get3A_552] {strides = array<i32>} : memref<3x128x128xf32, #tpu.memory_space<vmem>>, vector<1x1x16xf32>,
      %get3A_554 = vector.shape_cast %get3A_553 : vector<1x1x16xf32> to vector<16xf32>
      %mul3A_555 = arith.mulf %get3A_548, %get3A_554 : vector<16xf32>
      %add3A_556 = arith.addf %add3A_542, %mul3A_555 : vector<16xf32>
      scf.yield %add3A_556 : vector<16xf32>
    }
    %scan3A_114 = arith.constant 128 : i32
    %dma_start3A_115 = arith.constant 0 : i32
    %dma_start3A_116 = arith.constant 0 : i32
    %dma_start3A_117 = arith.constant 0 : i32
    %dma_start3A_118 = tpu.memref_slice %arg12[%dma_start3A_115, %dma_start3A_116, %dma_start3A_117] : memref<3x128x128xf32, #tpu.memory_space<vmem>> -> memref<1x128x128xf32, #tpu.memory_space<vmem>>
    %dma_start3A_119 = tpu.memref_squeeze %dma_start3A_118 : memref<1x128x128xf32, #tpu.memory_space<vmem>> -> memref<128x128xf32, #tpu.memory_space<vmem>>
    %dma_start3A_120 = arith.constant 384 : i32
    %dma_start3A_121 = tpu.memref_slice %arg10[%dma_start3A_120] : memref<512xi32, #tpu.memory_space<vmem>> -> memref<128xi32, #tpu.memory_space<vmem>>
    %dma_start3A_122 = arith.constant 0 : i32
    %dma_start3A_123 = arith.constant 0 : i32
    %dma_start3A_124 = tpu.memref_slice %arg3[%dma_start3A_122, %dma_start3A_123] : memref<100000x128xf32, #tpu.memory_space<hbm>> -> memref<100000x128xf32, #tpu.memory_space<hbm>>
    tpu.enqueue_indirect_dma source(%dma_start3A_124 : memref<100000x128xf32, #tpu.memory_space<hbm>>) target(%dma_start3A_119 : memref<128x128xf32, #tpu.memory_space<vmem>>) offsets(%dma_start3A_121 : memref<128xi32, #tpu.memory_space<vmem>>) semaphore(%arg17 : memref<!tpu.dma_semaphore, #tpu.memory_space<semaphore_mem>>)
    %dma_start3A_125 = arith.constant 0 : i32
    %dma_start3A_126 = arith.constant 0 : i32
    %dma_start3A_127 = arith.constant 0 : i32
    %dma_start3A_128 = tpu.memref_slice %arg13[%dma_start3A_125, %dma_start3A_126, %dma_start3A_127] : memref<3x128x128xf32, #tpu.memory_space<vmem>> -> memref<1x128x128xf32, #tpu.memory_space<vmem>>
    %dma_start3A_129 = tpu.memref_squeeze %dma_start3A_128 : memref<1x128x128xf32, #tpu.memory_space<vmem>> -> memref<128x128xf32, #tpu.memory_space<vmem>>
    %dma_start3A_130 = arith.constant 384 : i32
    %dma_start3A_131 = tpu.memref_slice %arg11[%dma_start3A_130] : memref<512xi32, #tpu.memory_space<vmem>> -> memref<128xi32, #tpu.memory_space<vmem>>
    %dma_start3A_132 = arith.constant 0 : i32
    %dma_start3A_133 = arith.constant 0 : i32
    %dma_start3A_134 = tpu.memref_slice %arg5[%dma_start3A_132, %dma_start3A_133] : memref<100000x128xf32, #tpu.memory_space<hbm>> -> memref<100000x128xf32, #tpu.memory_space<hbm>>
    tpu.enqueue_indirect_dma source(%dma_start3A_134 : memref<100000x128xf32, #tpu.memory_space<hbm>>) target(%dma_start3A_129 : memref<128x128xf32, #tpu.memory_space<vmem>>) offsets(%dma_start3A_131 : memref<128xi32, #tpu.memory_space<vmem>>) semaphore(%arg20 : memref<!tpu.dma_semaphore, #tpu.memory_space<semaphore_mem>>)
    %dma_start3A_135 = arith.constant 1 : i32
    %dma_start3A_136 = arith.constant 0 : i32
    %dma_start3A_137 = tpu.memref_slice %arg14[%dma_start3A_135, %dma_start3A_136] : memref<4x128xf32, #tpu.memory_space<vmem>> -> memref<1x128xf32, #tpu.memory_space<vmem>>
    %dma_start3A_138 = tpu.memref_squeeze %dma_start3A_137 : memref<1x128xf32, #tpu.memory_space<vmem>> -> memref<128xf32, #tpu.memory_space<vmem>>
    %dma_start3A_139 = arith.constant 128 : i32
    %dma_start3A_140 = tpu.memref_slice %arg10[%dma_start3A_139] : memref<512xi32, #tpu.memory_space<vmem>> -> memref<128xi32, #tpu.memory_space<vmem>>
    %dma_start3A_141 = arith.constant 0 : i32
    %dma_start3A_142 = tpu.memref_slice %arg4[%dma_start3A_141] : memref<100352xf32, #tpu.memory_space<hbm>> -> memref<100352xf32, #tpu.memory_space<hbm>>
    tpu.enqueue_indirect_dma source(%dma_start3A_142 : memref<100352xf32, #tpu.memory_space<hbm>>) target(%dma_start3A_138 : memref<128xf32, #tpu.memory_space<vmem>>) offsets(%dma_start3A_140 : memref<128xi32, #tpu.memory_space<vmem>>) semaphore(%arg23 : memref<!tpu.dma_semaphore, #tpu.memory_space<semaphore_mem>>)
    %dma_start3A_143 = arith.constant 1 : i32
    %dma_start3A_144 = arith.constant 0 : i32
    %dma_start3A_145 = tpu.memref_slice %arg15[%dma_start3A_143, %dma_start3A_144] : memref<4x128xf32, #tpu.memory_space<vmem>> -> memref<1x128xf32, #tpu.memory_space<vmem>>
    %dma_start3A_146 = tpu.memref_squeeze %dma_start3A_145 : memref<1x128xf32, #tpu.memory_space<vmem>> -> memref<128xf32, #tpu.memory_space<vmem>>
    %dma_start3A_147 = arith.constant 128 : i32
    %dma_start3A_148 = tpu.memref_slice %arg11[%dma_start3A_147] : memref<512xi32, #tpu.memory_space<vmem>> -> memref<128xi32, #tpu.memory_space<vmem>>
    %dma_start3A_149 = arith.constant 0 : i32
    %dma_start3A_150 = tpu.memref_slice %arg6[%dma_start3A_149] : memref<100352xf32, #tpu.memory_space<hbm>> -> memref<100352xf32, #tpu.memory_space<hbm>>
    tpu.enqueue_indirect_dma source(%dma_start3A_150 : memref<100352xf32, #tpu.memory_space<hbm>>) target(%dma_start3A_146 : memref<128xf32, #tpu.memory_space<vmem>>) offsets(%dma_start3A_148 : memref<128xi32, #tpu.memory_space<vmem>>) semaphore(%arg24 : memref<!tpu.dma_semaphore, #tpu.memory_space<semaphore_mem>>)
    %dma_wait3A_151 = arith.constant 1 : i32
    %dma_wait3A_152 = arith.constant 0 : i32
    %dma_wait3A_153 = arith.constant 0 : i32
    %dma_wait3A_154 = tpu.memref_slice %arg12[%dma_wait3A_151, %dma_wait3A_152, %dma_wait3A_153] : memref<3x128x128xf32, #tpu.memory_space<vmem>> -> memref<1x128x128xf32, #tpu.memory_space<vmem>>
    %dma_wait3A_155 = tpu.memref_squeeze %dma_wait3A_154 : memref<1x128x128xf32, #tpu.memory_space<vmem>> -> memref<128x128xf32, #tpu.memory_space<vmem>>
    %dma_wait3A_156 = arith.constant 128 : i32
    %dma_wait3A_157 = tpu.memref_slice %arg10[%dma_wait3A_156] : memref<512xi32, #tpu.memory_space<vmem>> -> memref<128xi32, #tpu.memory_space<vmem>>
    %dma_wait3A_158 = arith.constant 0 : i32
    %dma_wait3A_159 = arith.constant 0 : i32
    %dma_wait3A_160 = tpu.memref_slice %arg3[%dma_wait3A_158, %dma_wait3A_159] : memref<100000x128xf32, #tpu.memory_space<hbm>> -> memref<100000x128xf32, #tpu.memory_space<hbm>>
    tpu.wait_indirect_dma semaphore(%arg18 : memref<!tpu.dma_semaphore, #tpu.memory_space<semaphore_mem>>) src(%dma_wait3A_160 : memref<100000x128xf32, #tpu.memory_space<hbm>>) dst(%dma_wait3A_155 : memref<128x128xf32, #tpu.memory_space<vmem>>)
    %dma_wait3A_161 = arith.constant 1 : i32
    %dma_wait3A_162 = arith.constant 0 : i32
    %dma_wait3A_163 = arith.constant 0 : i32
    %dma_wait3A_164 = tpu.memref_slice %arg13[%dma_wait3A_161, %dma_wait3A_162, %dma_wait3A_163] : memref<3x128x128xf32, #tpu.memory_space<vmem>> -> memref<1x128x128xf32, #tpu.memory_space<vmem>>
    %dma_wait3A_165 = tpu.memref_squeeze %dma_wait3A_164 : memref<1x128x128xf32, #tpu.memory_space<vmem>> -> memref<128x128xf32, #tpu.memory_space<vmem>>
    %dma_wait3A_166 = arith.constant 128 : i32
    %dma_wait3A_167 = tpu.memref_slice %arg11[%dma_wait3A_166] : memref<512xi32, #tpu.memory_space<vmem>> -> memref<128xi32, #tpu.memory_space<vmem>>
    %dma_wait3A_168 = arith.constant 0 : i32
    %dma_wait3A_169 = arith.constant 0 : i32
    %dma_wait3A_170 = tpu.memref_slice %arg5[%dma_wait3A_168, %dma_wait3A_169] : memref<100000x128xf32, #tpu.memory_space<hbm>> -> memref<100000x128xf32, #tpu.memory_space<hbm>>
    tpu.wait_indirect_dma semaphore(%arg21 : memref<!tpu.dma_semaphore, #tpu.memory_space<semaphore_mem>>) src(%dma_wait3A_170 : memref<100000x128xf32, #tpu.memory_space<hbm>>) dst(%dma_wait3A_165 : memref<128x128xf32, #tpu.memory_space<vmem>>)
    %scan3A_171 = arith.constant 0 : i32
    %scan3A_172 = arith.constant 128 : i32
    %scan3A_173 = arith.addi %scan3A_171, %scan3A_172 : i32
    %scan3A_174 = arith.constant 2 : i32
    %scan3A_175 = scf.for %scan3A_330 = %scan3A_171 to %scan3A_173 step %scan3A_174 iter_args(%scan3A_331 = %scan3A_113) -> (vector<16xf32>)  : i32 {
      %get3A = arith.constant 1 : i32
      %get3A_332 = arith.index_cast %get3A : i32 to index
      %get3A_333 = arith.index_cast %scan3A_330 : i32 to index
      %get3A_334 = arith.constant 0 : index
      %get3A_335 = tpu.vector_load %arg12[%get3A_332, %get3A_333, %get3A_334] {strides = array<i32>} : memref<3x128x128xf32, #tpu.memory_space<vmem>>, vector<1x1x16xf32>,
      %get3A_336 = vector.shape_cast %get3A_335 : vector<1x1x16xf32> to vector<16xf32>
      %get3A_337 = arith.constant 1 : i32
      %get3A_338 = arith.index_cast %get3A_337 : i32 to index
      %get3A_339 = arith.index_cast %scan3A_330 : i32 to index
      %get3A_340 = arith.constant 0 : index
      %get3A_341 = tpu.vector_load %arg13[%get3A_338, %get3A_339, %get3A_340] {strides = array<i32>} : memref<3x128x128xf32, #tpu.memory_space<vmem>>, vector<1x1x16xf32>,
      %get3A_342 = vector.shape_cast %get3A_341 : vector<1x1x16xf32> to vector<16xf32>
      %mul3A_343 = arith.mulf %get3A_336, %get3A_342 : vector<16xf32>
      %add3A_344 = arith.addf %scan3A_331, %mul3A_343 : vector<16xf32>
      %get3A_345 = arith.constant 1 : i32
      %get3A_346 = arith.index_cast %get3A_345 : i32 to index
      %get3A_347 = arith.index_cast %scan3A_330 : i32 to index
      %get3A_348 = arith.constant 16 : index
      %get3A_349 = tpu.vector_load %arg12[%get3A_346, %get3A_347, %get3A_348] {strides = array<i32>} : memref<3x128x128xf32, #tpu.memory_space<vmem>>, vector<1x1x16xf32>,
      %get3A_350 = vector.shape_cast %get3A_349 : vector<1x1x16xf32> to vector<16xf32>
      %get3A_351 = arith.constant 1 : i32
      %get3A_352 = arith.index_cast %get3A_351 : i32 to index
      %get3A_353 = arith.index_cast %scan3A_330 : i32 to index
      %get3A_354 = arith.constant 16 : index
      %get3A_355 = tpu.vector_load %arg13[%get3A_352, %get3A_353, %get3A_354] {strides = array<i32>} : memref<3x128x128xf32, #tpu.memory_space<vmem>>, vector<1x1x16xf32>,
      %get3A_356 = vector.shape_cast %get3A_355 : vector<1x1x16xf32> to vector<16xf32>
      %mul3A_357 = arith.mulf %get3A_350, %get3A_356 : vector<16xf32>
      %add3A_358 = arith.addf %add3A_344, %mul3A_357 : vector<16xf32>
      %get3A_359 = arith.constant 1 : i32
      %get3A_360 = arith.index_cast %get3A_359 : i32 to index
      %get3A_361 = arith.index_cast %scan3A_330 : i32 to index
      %get3A_362 = arith.constant 32 : index
      %get3A_363 = tpu.vector_load %arg12[%get3A_360, %get3A_361, %get3A_362] {strides = array<i32>} : memref<3x128x128xf32, #tpu.memory_space<vmem>>, vector<1x1x16xf32>,
      %get3A_364 = vector.shape_cast %get3A_363 : vector<1x1x16xf32> to vector<16xf32>
      %get3A_365 = arith.constant 1 : i32
      %get3A_366 = arith.index_cast %get3A_365 : i32 to index
      %get3A_367 = arith.index_cast %scan3A_330 : i32 to index
      %get3A_368 = arith.constant 32 : index
      %get3A_369 = tpu.vector_load %arg13[%get3A_366, %get3A_367, %get3A_368] {strides = array<i32>} : memref<3x128x128xf32, #tpu.memory_space<vmem>>, vector<1x1x16xf32>,
      %get3A_370 = vector.shape_cast %get3A_369 : vector<1x1x16xf32> to vector<16xf32>
      %mul3A_371 = arith.mulf %get3A_364, %get3A_370 : vector<16xf32>
      %add3A_372 = arith.addf %add3A_358, %mul3A_371 : vector<16xf32>
      %get3A_373 = arith.constant 1 : i32
      %get3A_374 = arith.index_cast %get3A_373 : i32 to index
      %get3A_375 = arith.index_cast %scan3A_330 : i32 to index
      %get3A_376 = arith.constant 48 : index
      %get3A_377 = tpu.vector_load %arg12[%get3A_374, %get3A_375, %get3A_376] {strides = array<i32>} : memref<3x128x128xf32, #tpu.memory_space<vmem>>, vector<1x1x16xf32>,
      %get3A_378 = vector.shape_cast %get3A_377 : vector<1x1x16xf32> to vector<16xf32>
      %get3A_379 = arith.constant 1 : i32
      %get3A_380 = arith.index_cast %get3A_379 : i32 to index
      %get3A_381 = arith.index_cast %scan3A_330 : i32 to index
      %get3A_382 = arith.constant 48 : index
      %get3A_383 = tpu.vector_load %arg13[%get3A_380, %get3A_381, %get3A_382] {strides = array<i32>} : memref<3x128x128xf32, #tpu.memory_space<vmem>>, vector<1x1x16xf32>,
      %get3A_384 = vector.shape_cast %get3A_383 : vector<1x1x16xf32> to vector<16xf32>
      %mul3A_385 = arith.mulf %get3A_378, %get3A_384 : vector<16xf32>
      %add3A_386 = arith.addf %add3A_372, %mul3A_385 : vector<16xf32>
      %get3A_387 = arith.constant 1 : i32
      %get3A_388 = arith.index_cast %get3A_387 : i32 to index
      %get3A_389 = arith.index_cast %scan3A_330 : i32 to index
      %get3A_390 = arith.constant 64 : index
      %get3A_391 = tpu.vector_load %arg12[%get3A_388, %get3A_389, %get3A_390] {strides = array<i32>} : memref<3x128x128xf32, #tpu.memory_space<vmem>>, vector<1x1x16xf32>,
      %get3A_392 = vector.shape_cast %get3A_391 : vector<1x1x16xf32> to vector<16xf32>
      %get3A_393 = arith.constant 1 : i32
      %get3A_394 = arith.index_cast %get3A_393 : i32 to index
      %get3A_395 = arith.index_cast %scan3A_330 : i32 to index
      %get3A_396 = arith.constant 64 : index
      %get3A_397 = tpu.vector_load %arg13[%get3A_394, %get3A_395, %get3A_396] {strides = array<i32>} : memref<3x128x128xf32, #tpu.memory_space<vmem>>, vector<1x1x16xf32>,
      %get3A_398 = vector.shape_cast %get3A_397 : vector<1x1x16xf32> to vector<16xf32>
      %mul3A_399 = arith.mulf %get3A_392, %get3A_398 : vector<16xf32>
      %add3A_400 = arith.addf %add3A_386, %mul3A_399 : vector<16xf32>
      %get3A_401 = arith.constant 1 : i32
      %get3A_402 = arith.index_cast %get3A_401 : i32 to index
      %get3A_403 = arith.index_cast %scan3A_330 : i32 to index
      %get3A_404 = arith.constant 80 : index
      %get3A_405 = tpu.vector_load %arg12[%get3A_402, %get3A_403, %get3A_404] {strides = array<i32>} : memref<3x128x128xf32, #tpu.memory_space<vmem>>, vector<1x1x16xf32>,
      %get3A_406 = vector.shape_cast %get3A_405 : vector<1x1x16xf32> to vector<16xf32>
      %get3A_407 = arith.constant 1 : i32
      %get3A_408 = arith.index_cast %get3A_407 : i32 to index
      %get3A_409 = arith.index_cast %scan3A_330 : i32 to index
      %get3A_410 = arith.constant 80 : index
      %get3A_411 = tpu.vector_load %arg13[%get3A_408, %get3A_409, %get3A_410] {strides = array<i32>} : memref<3x128x128xf32, #tpu.memory_space<vmem>>, vector<1x1x16xf32>,
      %get3A_412 = vector.shape_cast %get3A_411 : vector<1x1x16xf32> to vector<16xf32>
      %mul3A_413 = arith.mulf %get3A_406, %get3A_412 : vector<16xf32>
      %add3A_414 = arith.addf %add3A_400, %mul3A_413 : vector<16xf32>
      %get3A_415 = arith.constant 1 : i32
      %get3A_416 = arith.index_cast %get3A_415 : i32 to index
      %get3A_417 = arith.index_cast %scan3A_330 : i32 to index
      %get3A_418 = arith.constant 96 : index
      %get3A_419 = tpu.vector_load %arg12[%get3A_416, %get3A_417, %get3A_418] {strides = array<i32>} : memref<3x128x128xf32, #tpu.memory_space<vmem>>, vector<1x1x16xf32>,
      %get3A_420 = vector.shape_cast %get3A_419 : vector<1x1x16xf32> to vector<16xf32>
      %get3A_421 = arith.constant 1 : i32
      %get3A_422 = arith.index_cast %get3A_421 : i32 to index
      %get3A_423 = arith.index_cast %scan3A_330 : i32 to index
      %get3A_424 = arith.constant 96 : index
      %get3A_425 = tpu.vector_load %arg13[%get3A_422, %get3A_423, %get3A_424] {strides = array<i32>} : memref<3x128x128xf32, #tpu.memory_space<vmem>>, vector<1x1x16xf32>,
      %get3A_426 = vector.shape_cast %get3A_425 : vector<1x1x16xf32> to vector<16xf32>
      %mul3A_427 = arith.mulf %get3A_420, %get3A_426 : vector<16xf32>
      %add3A_428 = arith.addf %add3A_414, %mul3A_427 : vector<16xf32>
      %get3A_429 = arith.constant 1 : i32
      %get3A_430 = arith.index_cast %get3A_429 : i32 to index
      %get3A_431 = arith.index_cast %scan3A_330 : i32 to index
      %get3A_432 = arith.constant 112 : index
      %get3A_433 = tpu.vector_load %arg12[%get3A_430, %get3A_431, %get3A_432] {strides = array<i32>} : memref<3x128x128xf32, #tpu.memory_space<vmem>>, vector<1x1x16xf32>,
      %get3A_434 = vector.shape_cast %get3A_433 : vector<1x1x16xf32> to vector<16xf32>
      %get3A_435 = arith.constant 1 : i32
      %get3A_436 = arith.index_cast %get3A_435 : i32 to index
      %get3A_437 = arith.index_cast %scan3A_330 : i32 to index
      %get3A_438 = arith.constant 112 : index
      %get3A_439 = tpu.vector_load %arg13[%get3A_436, %get3A_437, %get3A_438] {strides = array<i32>} : memref<3x128x128xf32, #tpu.memory_space<vmem>>, vector<1x1x16xf32>,
      %get3A_440 = vector.shape_cast %get3A_439 : vector<1x1x16xf32> to vector<16xf32>
      %mul3A_441 = arith.mulf %get3A_434, %get3A_440 : vector<16xf32>
      %add3A_442 = arith.addf %add3A_428, %mul3A_441 : vector<16xf32>
      %scan3A_443 = arith.constant 1 : i32
      %scan3A_444 = arith.addi %scan3A_330, %scan3A_443 : i32
      %get3A_445 = arith.constant 1 : i32
      %get3A_446 = arith.index_cast %get3A_445 : i32 to index
      %get3A_447 = arith.index_cast %scan3A_444 : i32 to index
      %get3A_448 = arith.constant 0 : index
      %get3A_449 = tpu.vector_load %arg12[%get3A_446, %get3A_447, %get3A_448] {strides = array<i32>} : memref<3x128x128xf32, #tpu.memory_space<vmem>>, vector<1x1x16xf32>,
      %get3A_450 = vector.shape_cast %get3A_449 : vector<1x1x16xf32> to vector<16xf32>
      %get3A_451 = arith.constant 1 : i32
      %get3A_452 = arith.index_cast %get3A_451 : i32 to index
      %get3A_453 = arith.index_cast %scan3A_444 : i32 to index
      %get3A_454 = arith.constant 0 : index
      %get3A_455 = tpu.vector_load %arg13[%get3A_452, %get3A_453, %get3A_454] {strides = array<i32>} : memref<3x128x128xf32, #tpu.memory_space<vmem>>, vector<1x1x16xf32>,
      %get3A_456 = vector.shape_cast %get3A_455 : vector<1x1x16xf32> to vector<16xf32>
      %mul3A_457 = arith.mulf %get3A_450, %get3A_456 : vector<16xf32>
      %add3A_458 = arith.addf %add3A_442, %mul3A_457 : vector<16xf32>
      %get3A_459 = arith.constant 1 : i32
      %get3A_460 = arith.index_cast %get3A_459 : i32 to index
      %get3A_461 = arith.index_cast %scan3A_444 : i32 to index
      %get3A_462 = arith.constant 16 : index
      %get3A_463 = tpu.vector_load %arg12[%get3A_460, %get3A_461, %get3A_462] {strides = array<i32>} : memref<3x128x128xf32, #tpu.memory_space<vmem>>, vector<1x1x16xf32>,
      %get3A_464 = vector.shape_cast %get3A_463 : vector<1x1x16xf32> to vector<16xf32>
      %get3A_465 = arith.constant 1 : i32
      %get3A_466 = arith.index_cast %get3A_465 : i32 to index
      %get3A_467 = arith.index_cast %scan3A_444 : i32 to index
      %get3A_468 = arith.constant 16 : index
      %get3A_469 = tpu.vector_load %arg13[%get3A_466, %get3A_467, %get3A_468] {strides = array<i32>} : memref<3x128x128xf32, #tpu.memory_space<vmem>>, vector<1x1x16xf32>,
      %get3A_470 = vector.shape_cast %get3A_469 : vector<1x1x16xf32> to vector<16xf32>
      %mul3A_471 = arith.mulf %get3A_464, %get3A_470 : vector<16xf32>
      %add3A_472 = arith.addf %add3A_458, %mul3A_471 : vector<16xf32>
      %get3A_473 = arith.constant 1 : i32
      %get3A_474 = arith.index_cast %get3A_473 : i32 to index
      %get3A_475 = arith.index_cast %scan3A_444 : i32 to index
      %get3A_476 = arith.constant 32 : index
      %get3A_477 = tpu.vector_load %arg12[%get3A_474, %get3A_475, %get3A_476] {strides = array<i32>} : memref<3x128x128xf32, #tpu.memory_space<vmem>>, vector<1x1x16xf32>,
      %get3A_478 = vector.shape_cast %get3A_477 : vector<1x1x16xf32> to vector<16xf32>
      %get3A_479 = arith.constant 1 : i32
      %get3A_480 = arith.index_cast %get3A_479 : i32 to index
      %get3A_481 = arith.index_cast %scan3A_444 : i32 to index
      %get3A_482 = arith.constant 32 : index
      %get3A_483 = tpu.vector_load %arg13[%get3A_480, %get3A_481, %get3A_482] {strides = array<i32>} : memref<3x128x128xf32, #tpu.memory_space<vmem>>, vector<1x1x16xf32>,
      %get3A_484 = vector.shape_cast %get3A_483 : vector<1x1x16xf32> to vector<16xf32>
      %mul3A_485 = arith.mulf %get3A_478, %get3A_484 : vector<16xf32>
      %add3A_486 = arith.addf %add3A_472, %mul3A_485 : vector<16xf32>
      %get3A_487 = arith.constant 1 : i32
      %get3A_488 = arith.index_cast %get3A_487 : i32 to index
      %get3A_489 = arith.index_cast %scan3A_444 : i32 to index
      %get3A_490 = arith.constant 48 : index
      %get3A_491 = tpu.vector_load %arg12[%get3A_488, %get3A_489, %get3A_490] {strides = array<i32>} : memref<3x128x128xf32, #tpu.memory_space<vmem>>, vector<1x1x16xf32>,
      %get3A_492 = vector.shape_cast %get3A_491 : vector<1x1x16xf32> to vector<16xf32>
      %get3A_493 = arith.constant 1 : i32
      %get3A_494 = arith.index_cast %get3A_493 : i32 to index
      %get3A_495 = arith.index_cast %scan3A_444 : i32 to index
      %get3A_496 = arith.constant 48 : index
      %get3A_497 = tpu.vector_load %arg13[%get3A_494, %get3A_495, %get3A_496] {strides = array<i32>} : memref<3x128x128xf32, #tpu.memory_space<vmem>>, vector<1x1x16xf32>,
      %get3A_498 = vector.shape_cast %get3A_497 : vector<1x1x16xf32> to vector<16xf32>
      %mul3A_499 = arith.mulf %get3A_492, %get3A_498 : vector<16xf32>
      %add3A_500 = arith.addf %add3A_486, %mul3A_499 : vector<16xf32>
      %get3A_501 = arith.constant 1 : i32
      %get3A_502 = arith.index_cast %get3A_501 : i32 to index
      %get3A_503 = arith.index_cast %scan3A_444 : i32 to index
      %get3A_504 = arith.constant 64 : index
      %get3A_505 = tpu.vector_load %arg12[%get3A_502, %get3A_503, %get3A_504] {strides = array<i32>} : memref<3x128x128xf32, #tpu.memory_space<vmem>>, vector<1x1x16xf32>,
      %get3A_506 = vector.shape_cast %get3A_505 : vector<1x1x16xf32> to vector<16xf32>
      %get3A_507 = arith.constant 1 : i32
      %get3A_508 = arith.index_cast %get3A_507 : i32 to index
      %get3A_509 = arith.index_cast %scan3A_444 : i32 to index
      %get3A_510 = arith.constant 64 : index
      %get3A_511 = tpu.vector_load %arg13[%get3A_508, %get3A_509, %get3A_510] {strides = array<i32>} : memref<3x128x128xf32, #tpu.memory_space<vmem>>, vector<1x1x16xf32>,
      %get3A_512 = vector.shape_cast %get3A_511 : vector<1x1x16xf32> to vector<16xf32>
      %mul3A_513 = arith.mulf %get3A_506, %get3A_512 : vector<16xf32>
      %add3A_514 = arith.addf %add3A_500, %mul3A_513 : vector<16xf32>
      %get3A_515 = arith.constant 1 : i32
      %get3A_516 = arith.index_cast %get3A_515 : i32 to index
      %get3A_517 = arith.index_cast %scan3A_444 : i32 to index
      %get3A_518 = arith.constant 80 : index
      %get3A_519 = tpu.vector_load %arg12[%get3A_516, %get3A_517, %get3A_518] {strides = array<i32>} : memref<3x128x128xf32, #tpu.memory_space<vmem>>, vector<1x1x16xf32>,
      %get3A_520 = vector.shape_cast %get3A_519 : vector<1x1x16xf32> to vector<16xf32>
      %get3A_521 = arith.constant 1 : i32
      %get3A_522 = arith.index_cast %get3A_521 : i32 to index
      %get3A_523 = arith.index_cast %scan3A_444 : i32 to index
      %get3A_524 = arith.constant 80 : index
      %get3A_525 = tpu.vector_load %arg13[%get3A_522, %get3A_523, %get3A_524] {strides = array<i32>} : memref<3x128x128xf32, #tpu.memory_space<vmem>>, vector<1x1x16xf32>,
      %get3A_526 = vector.shape_cast %get3A_525 : vector<1x1x16xf32> to vector<16xf32>
      %mul3A_527 = arith.mulf %get3A_520, %get3A_526 : vector<16xf32>
      %add3A_528 = arith.addf %add3A_514, %mul3A_527 : vector<16xf32>
      %get3A_529 = arith.constant 1 : i32
      %get3A_530 = arith.index_cast %get3A_529 : i32 to index
      %get3A_531 = arith.index_cast %scan3A_444 : i32 to index
      %get3A_532 = arith.constant 96 : index
      %get3A_533 = tpu.vector_load %arg12[%get3A_530, %get3A_531, %get3A_532] {strides = array<i32>} : memref<3x128x128xf32, #tpu.memory_space<vmem>>, vector<1x1x16xf32>,
      %get3A_534 = vector.shape_cast %get3A_533 : vector<1x1x16xf32> to vector<16xf32>
      %get3A_535 = arith.constant 1 : i32
      %get3A_536 = arith.index_cast %get3A_535 : i32 to index
      %get3A_537 = arith.index_cast %scan3A_444 : i32 to index
      %get3A_538 = arith.constant 96 : index
      %get3A_539 = tpu.vector_load %arg13[%get3A_536, %get3A_537, %get3A_538] {strides = array<i32>} : memref<3x128x128xf32, #tpu.memory_space<vmem>>, vector<1x1x16xf32>,
      %get3A_540 = vector.shape_cast %get3A_539 : vector<1x1x16xf32> to vector<16xf32>
      %mul3A_541 = arith.mulf %get3A_534, %get3A_540 : vector<16xf32>
      %add3A_542 = arith.addf %add3A_528, %mul3A_541 : vector<16xf32>
      %get3A_543 = arith.constant 1 : i32
      %get3A_544 = arith.index_cast %get3A_543 : i32 to index
      %get3A_545 = arith.index_cast %scan3A_444 : i32 to index
      %get3A_546 = arith.constant 112 : index
      %get3A_547 = tpu.vector_load %arg12[%get3A_544, %get3A_545, %get3A_546] {strides = array<i32>} : memref<3x128x128xf32, #tpu.memory_space<vmem>>, vector<1x1x16xf32>,
      %get3A_548 = vector.shape_cast %get3A_547 : vector<1x1x16xf32> to vector<16xf32>
      %get3A_549 = arith.constant 1 : i32
      %get3A_550 = arith.index_cast %get3A_549 : i32 to index
      %get3A_551 = arith.index_cast %scan3A_444 : i32 to index
      %get3A_552 = arith.constant 112 : index
      %get3A_553 = tpu.vector_load %arg13[%get3A_550, %get3A_551, %get3A_552] {strides = array<i32>} : memref<3x128x128xf32, #tpu.memory_space<vmem>>, vector<1x1x16xf32>,
      %get3A_554 = vector.shape_cast %get3A_553 : vector<1x1x16xf32> to vector<16xf32>
      %mul3A_555 = arith.mulf %get3A_548, %get3A_554 : vector<16xf32>
      %add3A_556 = arith.addf %add3A_542, %mul3A_555 : vector<16xf32>
      scf.yield %add3A_556 : vector<16xf32>
    }
    %scan3A_176 = arith.constant 128 : i32
    %dma_start3A_177 = arith.constant 2 : i32
    %dma_start3A_178 = arith.constant 0 : i32
    %dma_start3A_179 = tpu.memref_slice %arg14[%dma_start3A_177, %dma_start3A_178] : memref<4x128xf32, #tpu.memory_space<vmem>> -> memref<1x128xf32, #tpu.memory_space<vmem>>
    %dma_start3A_180 = tpu.memref_squeeze %dma_start3A_179 : memref<1x128xf32, #tpu.memory_space<vmem>> -> memref<128xf32, #tpu.memory_space<vmem>>
    %dma_start3A_181 = arith.constant 256 : i32
    %dma_start3A_182 = tpu.memref_slice %arg10[%dma_start3A_181] : memref<512xi32, #tpu.memory_space<vmem>> -> memref<128xi32, #tpu.memory_space<vmem>>
    %dma_start3A_183 = arith.constant 0 : i32
    %dma_start3A_184 = tpu.memref_slice %arg4[%dma_start3A_183] : memref<100352xf32, #tpu.memory_space<hbm>> -> memref<100352xf32, #tpu.memory_space<hbm>>
    tpu.enqueue_indirect_dma source(%dma_start3A_184 : memref<100352xf32, #tpu.memory_space<hbm>>) target(%dma_start3A_180 : memref<128xf32, #tpu.memory_space<vmem>>) offsets(%dma_start3A_182 : memref<128xi32, #tpu.memory_space<vmem>>) semaphore(%arg23 : memref<!tpu.dma_semaphore, #tpu.memory_space<semaphore_mem>>)
    %dma_start3A_185 = arith.constant 2 : i32
    %dma_start3A_186 = arith.constant 0 : i32
    %dma_start3A_187 = tpu.memref_slice %arg15[%dma_start3A_185, %dma_start3A_186] : memref<4x128xf32, #tpu.memory_space<vmem>> -> memref<1x128xf32, #tpu.memory_space<vmem>>
    %dma_start3A_188 = tpu.memref_squeeze %dma_start3A_187 : memref<1x128xf32, #tpu.memory_space<vmem>> -> memref<128xf32, #tpu.memory_space<vmem>>
    %dma_start3A_189 = arith.constant 256 : i32
    %dma_start3A_190 = tpu.memref_slice %arg11[%dma_start3A_189] : memref<512xi32, #tpu.memory_space<vmem>> -> memref<128xi32, #tpu.memory_space<vmem>>
    %dma_start3A_191 = arith.constant 0 : i32
    %dma_start3A_192 = tpu.memref_slice %arg6[%dma_start3A_191] : memref<100352xf32, #tpu.memory_space<hbm>> -> memref<100352xf32, #tpu.memory_space<hbm>>
    tpu.enqueue_indirect_dma source(%dma_start3A_192 : memref<100352xf32, #tpu.memory_space<hbm>>) target(%dma_start3A_188 : memref<128xf32, #tpu.memory_space<vmem>>) offsets(%dma_start3A_190 : memref<128xi32, #tpu.memory_space<vmem>>) semaphore(%arg24 : memref<!tpu.dma_semaphore, #tpu.memory_space<semaphore_mem>>)
    %dma_wait3A_193 = arith.constant 2 : i32
    %dma_wait3A_194 = arith.constant 0 : i32
    %dma_wait3A_195 = arith.constant 0 : i32
    %dma_wait3A_196 = tpu.memref_slice %arg12[%dma_wait3A_193, %dma_wait3A_194, %dma_wait3A_195] : memref<3x128x128xf32, #tpu.memory_space<vmem>> -> memref<1x128x128xf32, #tpu.memory_space<vmem>>
    %dma_wait3A_197 = tpu.memref_squeeze %dma_wait3A_196 : memref<1x128x128xf32, #tpu.memory_space<vmem>> -> memref<128x128xf32, #tpu.memory_space<vmem>>
    %dma_wait3A_198 = arith.constant 256 : i32
    %dma_wait3A_199 = tpu.memref_slice %arg10[%dma_wait3A_198] : memref<512xi32, #tpu.memory_space<vmem>> -> memref<128xi32, #tpu.memory_space<vmem>>
    %dma_wait3A_200 = arith.constant 0 : i32
    %dma_wait3A_201 = arith.constant 0 : i32
    %dma_wait3A_202 = tpu.memref_slice %arg3[%dma_wait3A_200, %dma_wait3A_201] : memref<100000x128xf32, #tpu.memory_space<hbm>> -> memref<100000x128xf32, #tpu.memory_space<hbm>>
    tpu.wait_indirect_dma semaphore(%arg19 : memref<!tpu.dma_semaphore, #tpu.memory_space<semaphore_mem>>) src(%dma_wait3A_202 : memref<100000x128xf32, #tpu.memory_space<hbm>>) dst(%dma_wait3A_197 : memref<128x128xf32, #tpu.memory_space<vmem>>)
    %dma_wait3A_203 = arith.constant 2 : i32
    %dma_wait3A_204 = arith.constant 0 : i32
    %dma_wait3A_205 = arith.constant 0 : i32
    %dma_wait3A_206 = tpu.memref_slice %arg13[%dma_wait3A_203, %dma_wait3A_204, %dma_wait3A_205] : memref<3x128x128xf32, #tpu.memory_space<vmem>> -> memref<1x128x128xf32, #tpu.memory_space<vmem>>
    %dma_wait3A_207 = tpu.memref_squeeze %dma_wait3A_206 : memref<1x128x128xf32, #tpu.memory_space<vmem>> -> memref<128x128xf32, #tpu.memory_space<vmem>>
    %dma_wait3A_208 = arith.constant 256 : i32
    %dma_wait3A_209 = tpu.memref_slice %arg11[%dma_wait3A_208] : memref<512xi32, #tpu.memory_space<vmem>> -> memref<128xi32, #tpu.memory_space<vmem>>
    %dma_wait3A_210 = arith.constant 0 : i32
    %dma_wait3A_211 = arith.constant 0 : i32
    %dma_wait3A_212 = tpu.memref_slice %arg5[%dma_wait3A_210, %dma_wait3A_211] : memref<100000x128xf32, #tpu.memory_space<hbm>> -> memref<100000x128xf32, #tpu.memory_space<hbm>>
    tpu.wait_indirect_dma semaphore(%arg22 : memref<!tpu.dma_semaphore, #tpu.memory_space<semaphore_mem>>) src(%dma_wait3A_212 : memref<100000x128xf32, #tpu.memory_space<hbm>>) dst(%dma_wait3A_207 : memref<128x128xf32, #tpu.memory_space<vmem>>)
    %scan3A_213 = arith.constant 0 : i32
    %scan3A_214 = arith.constant 128 : i32
    %scan3A_215 = arith.addi %scan3A_213, %scan3A_214 : i32
    %scan3A_216 = arith.constant 2 : i32
    %scan3A_217 = scf.for %scan3A_330 = %scan3A_213 to %scan3A_215 step %scan3A_216 iter_args(%scan3A_331 = %scan3A_175) -> (vector<16xf32>)  : i32 {
      %get3A = arith.constant 2 : i32
      %get3A_332 = arith.index_cast %get3A : i32 to index
      %get3A_333 = arith.index_cast %scan3A_330 : i32 to index
      %get3A_334 = arith.constant 0 : index
      %get3A_335 = tpu.vector_load %arg12[%get3A_332, %get3A_333, %get3A_334] {strides = array<i32>} : memref<3x128x128xf32, #tpu.memory_space<vmem>>, vector<1x1x16xf32>,
      %get3A_336 = vector.shape_cast %get3A_335 : vector<1x1x16xf32> to vector<16xf32>
      %get3A_337 = arith.constant 2 : i32
      %get3A_338 = arith.index_cast %get3A_337 : i32 to index
      %get3A_339 = arith.index_cast %scan3A_330 : i32 to index
      %get3A_340 = arith.constant 0 : index
      %get3A_341 = tpu.vector_load %arg13[%get3A_338, %get3A_339, %get3A_340] {strides = array<i32>} : memref<3x128x128xf32, #tpu.memory_space<vmem>>, vector<1x1x16xf32>,
      %get3A_342 = vector.shape_cast %get3A_341 : vector<1x1x16xf32> to vector<16xf32>
      %mul3A_343 = arith.mulf %get3A_336, %get3A_342 : vector<16xf32>
      %add3A_344 = arith.addf %scan3A_331, %mul3A_343 : vector<16xf32>
      %get3A_345 = arith.constant 2 : i32
      %get3A_346 = arith.index_cast %get3A_345 : i32 to index
      %get3A_347 = arith.index_cast %scan3A_330 : i32 to index
      %get3A_348 = arith.constant 16 : index
      %get3A_349 = tpu.vector_load %arg12[%get3A_346, %get3A_347, %get3A_348] {strides = array<i32>} : memref<3x128x128xf32, #tpu.memory_space<vmem>>, vector<1x1x16xf32>,
      %get3A_350 = vector.shape_cast %get3A_349 : vector<1x1x16xf32> to vector<16xf32>
      %get3A_351 = arith.constant 2 : i32
      %get3A_352 = arith.index_cast %get3A_351 : i32 to index
      %get3A_353 = arith.index_cast %scan3A_330 : i32 to index
      %get3A_354 = arith.constant 16 : index
      %get3A_355 = tpu.vector_load %arg13[%get3A_352, %get3A_353, %get3A_354] {strides = array<i32>} : memref<3x128x128xf32, #tpu.memory_space<vmem>>, vector<1x1x16xf32>,
      %get3A_356 = vector.shape_cast %get3A_355 : vector<1x1x16xf32> to vector<16xf32>
      %mul3A_357 = arith.mulf %get3A_350, %get3A_356 : vector<16xf32>
      %add3A_358 = arith.addf %add3A_344, %mul3A_357 : vector<16xf32>
      %get3A_359 = arith.constant 2 : i32
      %get3A_360 = arith.index_cast %get3A_359 : i32 to index
      %get3A_361 = arith.index_cast %scan3A_330 : i32 to index
      %get3A_362 = arith.constant 32 : index
      %get3A_363 = tpu.vector_load %arg12[%get3A_360, %get3A_361, %get3A_362] {strides = array<i32>} : memref<3x128x128xf32, #tpu.memory_space<vmem>>, vector<1x1x16xf32>,
      %get3A_364 = vector.shape_cast %get3A_363 : vector<1x1x16xf32> to vector<16xf32>
      %get3A_365 = arith.constant 2 : i32
      %get3A_366 = arith.index_cast %get3A_365 : i32 to index
      %get3A_367 = arith.index_cast %scan3A_330 : i32 to index
      %get3A_368 = arith.constant 32 : index
      %get3A_369 = tpu.vector_load %arg13[%get3A_366, %get3A_367, %get3A_368] {strides = array<i32>} : memref<3x128x128xf32, #tpu.memory_space<vmem>>, vector<1x1x16xf32>,
      %get3A_370 = vector.shape_cast %get3A_369 : vector<1x1x16xf32> to vector<16xf32>
      %mul3A_371 = arith.mulf %get3A_364, %get3A_370 : vector<16xf32>
      %add3A_372 = arith.addf %add3A_358, %mul3A_371 : vector<16xf32>
      %get3A_373 = arith.constant 2 : i32
      %get3A_374 = arith.index_cast %get3A_373 : i32 to index
      %get3A_375 = arith.index_cast %scan3A_330 : i32 to index
      %get3A_376 = arith.constant 48 : index
      %get3A_377 = tpu.vector_load %arg12[%get3A_374, %get3A_375, %get3A_376] {strides = array<i32>} : memref<3x128x128xf32, #tpu.memory_space<vmem>>, vector<1x1x16xf32>,
      %get3A_378 = vector.shape_cast %get3A_377 : vector<1x1x16xf32> to vector<16xf32>
      %get3A_379 = arith.constant 2 : i32
      %get3A_380 = arith.index_cast %get3A_379 : i32 to index
      %get3A_381 = arith.index_cast %scan3A_330 : i32 to index
      %get3A_382 = arith.constant 48 : index
      %get3A_383 = tpu.vector_load %arg13[%get3A_380, %get3A_381, %get3A_382] {strides = array<i32>} : memref<3x128x128xf32, #tpu.memory_space<vmem>>, vector<1x1x16xf32>,
      %get3A_384 = vector.shape_cast %get3A_383 : vector<1x1x16xf32> to vector<16xf32>
      %mul3A_385 = arith.mulf %get3A_378, %get3A_384 : vector<16xf32>
      %add3A_386 = arith.addf %add3A_372, %mul3A_385 : vector<16xf32>
      %get3A_387 = arith.constant 2 : i32
      %get3A_388 = arith.index_cast %get3A_387 : i32 to index
      %get3A_389 = arith.index_cast %scan3A_330 : i32 to index
      %get3A_390 = arith.constant 64 : index
      %get3A_391 = tpu.vector_load %arg12[%get3A_388, %get3A_389, %get3A_390] {strides = array<i32>} : memref<3x128x128xf32, #tpu.memory_space<vmem>>, vector<1x1x16xf32>,
      %get3A_392 = vector.shape_cast %get3A_391 : vector<1x1x16xf32> to vector<16xf32>
      %get3A_393 = arith.constant 2 : i32
      %get3A_394 = arith.index_cast %get3A_393 : i32 to index
      %get3A_395 = arith.index_cast %scan3A_330 : i32 to index
      %get3A_396 = arith.constant 64 : index
      %get3A_397 = tpu.vector_load %arg13[%get3A_394, %get3A_395, %get3A_396] {strides = array<i32>} : memref<3x128x128xf32, #tpu.memory_space<vmem>>, vector<1x1x16xf32>,
      %get3A_398 = vector.shape_cast %get3A_397 : vector<1x1x16xf32> to vector<16xf32>
      %mul3A_399 = arith.mulf %get3A_392, %get3A_398 : vector<16xf32>
      %add3A_400 = arith.addf %add3A_386, %mul3A_399 : vector<16xf32>
      %get3A_401 = arith.constant 2 : i32
      %get3A_402 = arith.index_cast %get3A_401 : i32 to index
      %get3A_403 = arith.index_cast %scan3A_330 : i32 to index
      %get3A_404 = arith.constant 80 : index
      %get3A_405 = tpu.vector_load %arg12[%get3A_402, %get3A_403, %get3A_404] {strides = array<i32>} : memref<3x128x128xf32, #tpu.memory_space<vmem>>, vector<1x1x16xf32>,
      %get3A_406 = vector.shape_cast %get3A_405 : vector<1x1x16xf32> to vector<16xf32>
      %get3A_407 = arith.constant 2 : i32
      %get3A_408 = arith.index_cast %get3A_407 : i32 to index
      %get3A_409 = arith.index_cast %scan3A_330 : i32 to index
      %get3A_410 = arith.constant 80 : index
      %get3A_411 = tpu.vector_load %arg13[%get3A_408, %get3A_409, %get3A_410] {strides = array<i32>} : memref<3x128x128xf32, #tpu.memory_space<vmem>>, vector<1x1x16xf32>,
      %get3A_412 = vector.shape_cast %get3A_411 : vector<1x1x16xf32> to vector<16xf32>
      %mul3A_413 = arith.mulf %get3A_406, %get3A_412 : vector<16xf32>
      %add3A_414 = arith.addf %add3A_400, %mul3A_413 : vector<16xf32>
      %get3A_415 = arith.constant 2 : i32
      %get3A_416 = arith.index_cast %get3A_415 : i32 to index
      %get3A_417 = arith.index_cast %scan3A_330 : i32 to index
      %get3A_418 = arith.constant 96 : index
      %get3A_419 = tpu.vector_load %arg12[%get3A_416, %get3A_417, %get3A_418] {strides = array<i32>} : memref<3x128x128xf32, #tpu.memory_space<vmem>>, vector<1x1x16xf32>,
      %get3A_420 = vector.shape_cast %get3A_419 : vector<1x1x16xf32> to vector<16xf32>
      %get3A_421 = arith.constant 2 : i32
      %get3A_422 = arith.index_cast %get3A_421 : i32 to index
      %get3A_423 = arith.index_cast %scan3A_330 : i32 to index
      %get3A_424 = arith.constant 96 : index
      %get3A_425 = tpu.vector_load %arg13[%get3A_422, %get3A_423, %get3A_424] {strides = array<i32>} : memref<3x128x128xf32, #tpu.memory_space<vmem>>, vector<1x1x16xf32>,
      %get3A_426 = vector.shape_cast %get3A_425 : vector<1x1x16xf32> to vector<16xf32>
      %mul3A_427 = arith.mulf %get3A_420, %get3A_426 : vector<16xf32>
      %add3A_428 = arith.addf %add3A_414, %mul3A_427 : vector<16xf32>
      %get3A_429 = arith.constant 2 : i32
      %get3A_430 = arith.index_cast %get3A_429 : i32 to index
      %get3A_431 = arith.index_cast %scan3A_330 : i32 to index
      %get3A_432 = arith.constant 112 : index
      %get3A_433 = tpu.vector_load %arg12[%get3A_430, %get3A_431, %get3A_432] {strides = array<i32>} : memref<3x128x128xf32, #tpu.memory_space<vmem>>, vector<1x1x16xf32>,
      %get3A_434 = vector.shape_cast %get3A_433 : vector<1x1x16xf32> to vector<16xf32>
      %get3A_435 = arith.constant 2 : i32
      %get3A_436 = arith.index_cast %get3A_435 : i32 to index
      %get3A_437 = arith.index_cast %scan3A_330 : i32 to index
      %get3A_438 = arith.constant 112 : index
      %get3A_439 = tpu.vector_load %arg13[%get3A_436, %get3A_437, %get3A_438] {strides = array<i32>} : memref<3x128x128xf32, #tpu.memory_space<vmem>>, vector<1x1x16xf32>,
      %get3A_440 = vector.shape_cast %get3A_439 : vector<1x1x16xf32> to vector<16xf32>
      %mul3A_441 = arith.mulf %get3A_434, %get3A_440 : vector<16xf32>
      %add3A_442 = arith.addf %add3A_428, %mul3A_441 : vector<16xf32>
      %scan3A_443 = arith.constant 1 : i32
      %scan3A_444 = arith.addi %scan3A_330, %scan3A_443 : i32
      %get3A_445 = arith.constant 2 : i32
      %get3A_446 = arith.index_cast %get3A_445 : i32 to index
      %get3A_447 = arith.index_cast %scan3A_444 : i32 to index
      %get3A_448 = arith.constant 0 : index
      %get3A_449 = tpu.vector_load %arg12[%get3A_446, %get3A_447, %get3A_448] {strides = array<i32>} : memref<3x128x128xf32, #tpu.memory_space<vmem>>, vector<1x1x16xf32>,
      %get3A_450 = vector.shape_cast %get3A_449 : vector<1x1x16xf32> to vector<16xf32>
      %get3A_451 = arith.constant 2 : i32
      %get3A_452 = arith.index_cast %get3A_451 : i32 to index
      %get3A_453 = arith.index_cast %scan3A_444 : i32 to index
      %get3A_454 = arith.constant 0 : index
      %get3A_455 = tpu.vector_load %arg13[%get3A_452, %get3A_453, %get3A_454] {strides = array<i32>} : memref<3x128x128xf32, #tpu.memory_space<vmem>>, vector<1x1x16xf32>,
      %get3A_456 = vector.shape_cast %get3A_455 : vector<1x1x16xf32> to vector<16xf32>
      %mul3A_457 = arith.mulf %get3A_450, %get3A_456 : vector<16xf32>
      %add3A_458 = arith.addf %add3A_442, %mul3A_457 : vector<16xf32>
      %get3A_459 = arith.constant 2 : i32
      %get3A_460 = arith.index_cast %get3A_459 : i32 to index
      %get3A_461 = arith.index_cast %scan3A_444 : i32 to index
      %get3A_462 = arith.constant 16 : index
      %get3A_463 = tpu.vector_load %arg12[%get3A_460, %get3A_461, %get3A_462] {strides = array<i32>} : memref<3x128x128xf32, #tpu.memory_space<vmem>>, vector<1x1x16xf32>,
      %get3A_464 = vector.shape_cast %get3A_463 : vector<1x1x16xf32> to vector<16xf32>
      %get3A_465 = arith.constant 2 : i32
      %get3A_466 = arith.index_cast %get3A_465 : i32 to index
      %get3A_467 = arith.index_cast %scan3A_444 : i32 to index
      %get3A_468 = arith.constant 16 : index
      %get3A_469 = tpu.vector_load %arg13[%get3A_466, %get3A_467, %get3A_468] {strides = array<i32>} : memref<3x128x128xf32, #tpu.memory_space<vmem>>, vector<1x1x16xf32>,
      %get3A_470 = vector.shape_cast %get3A_469 : vector<1x1x16xf32> to vector<16xf32>
      %mul3A_471 = arith.mulf %get3A_464, %get3A_470 : vector<16xf32>
      %add3A_472 = arith.addf %add3A_458, %mul3A_471 : vector<16xf32>
      %get3A_473 = arith.constant 2 : i32
      %get3A_474 = arith.index_cast %get3A_473 : i32 to index
      %get3A_475 = arith.index_cast %scan3A_444 : i32 to index
      %get3A_476 = arith.constant 32 : index
      %get3A_477 = tpu.vector_load %arg12[%get3A_474, %get3A_475, %get3A_476] {strides = array<i32>} : memref<3x128x128xf32, #tpu.memory_space<vmem>>, vector<1x1x16xf32>,
      %get3A_478 = vector.shape_cast %get3A_477 : vector<1x1x16xf32> to vector<16xf32>
      %get3A_479 = arith.constant 2 : i32
      %get3A_480 = arith.index_cast %get3A_479 : i32 to index
      %get3A_481 = arith.index_cast %scan3A_444 : i32 to index
      %get3A_482 = arith.constant 32 : index
      %get3A_483 = tpu.vector_load %arg13[%get3A_480, %get3A_481, %get3A_482] {strides = array<i32>} : memref<3x128x128xf32, #tpu.memory_space<vmem>>, vector<1x1x16xf32>,
      %get3A_484 = vector.shape_cast %get3A_483 : vector<1x1x16xf32> to vector<16xf32>
      %mul3A_485 = arith.mulf %get3A_478, %get3A_484 : vector<16xf32>
      %add3A_486 = arith.addf %add3A_472, %mul3A_485 : vector<16xf32>
      %get3A_487 = arith.constant 2 : i32
      %get3A_488 = arith.index_cast %get3A_487 : i32 to index
      %get3A_489 = arith.index_cast %scan3A_444 : i32 to index
      %get3A_490 = arith.constant 48 : index
      %get3A_491 = tpu.vector_load %arg12[%get3A_488, %get3A_489, %get3A_490] {strides = array<i32>} : memref<3x128x128xf32, #tpu.memory_space<vmem>>, vector<1x1x16xf32>,
      %get3A_492 = vector.shape_cast %get3A_491 : vector<1x1x16xf32> to vector<16xf32>
      %get3A_493 = arith.constant 2 : i32
      %get3A_494 = arith.index_cast %get3A_493 : i32 to index
      %get3A_495 = arith.index_cast %scan3A_444 : i32 to index
      %get3A_496 = arith.constant 48 : index
      %get3A_497 = tpu.vector_load %arg13[%get3A_494, %get3A_495, %get3A_496] {strides = array<i32>} : memref<3x128x128xf32, #tpu.memory_space<vmem>>, vector<1x1x16xf32>,
      %get3A_498 = vector.shape_cast %get3A_497 : vector<1x1x16xf32> to vector<16xf32>
      %mul3A_499 = arith.mulf %get3A_492, %get3A_498 : vector<16xf32>
      %add3A_500 = arith.addf %add3A_486, %mul3A_499 : vector<16xf32>
      %get3A_501 = arith.constant 2 : i32
      %get3A_502 = arith.index_cast %get3A_501 : i32 to index
      %get3A_503 = arith.index_cast %scan3A_444 : i32 to index
      %get3A_504 = arith.constant 64 : index
      %get3A_505 = tpu.vector_load %arg12[%get3A_502, %get3A_503, %get3A_504] {strides = array<i32>} : memref<3x128x128xf32, #tpu.memory_space<vmem>>, vector<1x1x16xf32>,
      %get3A_506 = vector.shape_cast %get3A_505 : vector<1x1x16xf32> to vector<16xf32>
      %get3A_507 = arith.constant 2 : i32
      %get3A_508 = arith.index_cast %get3A_507 : i32 to index
      %get3A_509 = arith.index_cast %scan3A_444 : i32 to index
      %get3A_510 = arith.constant 64 : index
      %get3A_511 = tpu.vector_load %arg13[%get3A_508, %get3A_509, %get3A_510] {strides = array<i32>} : memref<3x128x128xf32, #tpu.memory_space<vmem>>, vector<1x1x16xf32>,
      %get3A_512 = vector.shape_cast %get3A_511 : vector<1x1x16xf32> to vector<16xf32>
      %mul3A_513 = arith.mulf %get3A_506, %get3A_512 : vector<16xf32>
      %add3A_514 = arith.addf %add3A_500, %mul3A_513 : vector<16xf32>
      %get3A_515 = arith.constant 2 : i32
      %get3A_516 = arith.index_cast %get3A_515 : i32 to index
      %get3A_517 = arith.index_cast %scan3A_444 : i32 to index
      %get3A_518 = arith.constant 80 : index
      %get3A_519 = tpu.vector_load %arg12[%get3A_516, %get3A_517, %get3A_518] {strides = array<i32>} : memref<3x128x128xf32, #tpu.memory_space<vmem>>, vector<1x1x16xf32>,
      %get3A_520 = vector.shape_cast %get3A_519 : vector<1x1x16xf32> to vector<16xf32>
      %get3A_521 = arith.constant 2 : i32
      %get3A_522 = arith.index_cast %get3A_521 : i32 to index
      %get3A_523 = arith.index_cast %scan3A_444 : i32 to index
      %get3A_524 = arith.constant 80 : index
      %get3A_525 = tpu.vector_load %arg13[%get3A_522, %get3A_523, %get3A_524] {strides = array<i32>} : memref<3x128x128xf32, #tpu.memory_space<vmem>>, vector<1x1x16xf32>,
      %get3A_526 = vector.shape_cast %get3A_525 : vector<1x1x16xf32> to vector<16xf32>
      %mul3A_527 = arith.mulf %get3A_520, %get3A_526 : vector<16xf32>
      %add3A_528 = arith.addf %add3A_514, %mul3A_527 : vector<16xf32>
      %get3A_529 = arith.constant 2 : i32
      %get3A_530 = arith.index_cast %get3A_529 : i32 to index
      %get3A_531 = arith.index_cast %scan3A_444 : i32 to index
      %get3A_532 = arith.constant 96 : index
      %get3A_533 = tpu.vector_load %arg12[%get3A_530, %get3A_531, %get3A_532] {strides = array<i32>} : memref<3x128x128xf32, #tpu.memory_space<vmem>>, vector<1x1x16xf32>,
      %get3A_534 = vector.shape_cast %get3A_533 : vector<1x1x16xf32> to vector<16xf32>
      %get3A_535 = arith.constant 2 : i32
      %get3A_536 = arith.index_cast %get3A_535 : i32 to index
      %get3A_537 = arith.index_cast %scan3A_444 : i32 to index
      %get3A_538 = arith.constant 96 : index
      %get3A_539 = tpu.vector_load %arg13[%get3A_536, %get3A_537, %get3A_538] {strides = array<i32>} : memref<3x128x128xf32, #tpu.memory_space<vmem>>, vector<1x1x16xf32>,
      %get3A_540 = vector.shape_cast %get3A_539 : vector<1x1x16xf32> to vector<16xf32>
      %mul3A_541 = arith.mulf %get3A_534, %get3A_540 : vector<16xf32>
      %add3A_542 = arith.addf %add3A_528, %mul3A_541 : vector<16xf32>
      %get3A_543 = arith.constant 2 : i32
      %get3A_544 = arith.index_cast %get3A_543 : i32 to index
      %get3A_545 = arith.index_cast %scan3A_444 : i32 to index
      %get3A_546 = arith.constant 112 : index
      %get3A_547 = tpu.vector_load %arg12[%get3A_544, %get3A_545, %get3A_546] {strides = array<i32>} : memref<3x128x128xf32, #tpu.memory_space<vmem>>, vector<1x1x16xf32>,
      %get3A_548 = vector.shape_cast %get3A_547 : vector<1x1x16xf32> to vector<16xf32>
      %get3A_549 = arith.constant 2 : i32
      %get3A_550 = arith.index_cast %get3A_549 : i32 to index
      %get3A_551 = arith.index_cast %scan3A_444 : i32 to index
      %get3A_552 = arith.constant 112 : index
      %get3A_553 = tpu.vector_load %arg13[%get3A_550, %get3A_551, %get3A_552] {strides = array<i32>} : memref<3x128x128xf32, #tpu.memory_space<vmem>>, vector<1x1x16xf32>,
      %get3A_554 = vector.shape_cast %get3A_553 : vector<1x1x16xf32> to vector<16xf32>
      %mul3A_555 = arith.mulf %get3A_548, %get3A_554 : vector<16xf32>
      %add3A_556 = arith.addf %add3A_542, %mul3A_555 : vector<16xf32>
      scf.yield %add3A_556 : vector<16xf32>
    }
    %scan3A_218 = arith.constant 128 : i32
    %dma_start3A_219 = arith.constant 3 : i32
    %dma_start3A_220 = arith.constant 0 : i32
    %dma_start3A_221 = tpu.memref_slice %arg14[%dma_start3A_219, %dma_start3A_220] : memref<4x128xf32, #tpu.memory_space<vmem>> -> memref<1x128xf32, #tpu.memory_space<vmem>>
    %dma_start3A_222 = tpu.memref_squeeze %dma_start3A_221 : memref<1x128xf32, #tpu.memory_space<vmem>> -> memref<128xf32, #tpu.memory_space<vmem>>
    %dma_start3A_223 = arith.constant 384 : i32
    %dma_start3A_224 = tpu.memref_slice %arg10[%dma_start3A_223] : memref<512xi32, #tpu.memory_space<vmem>> -> memref<128xi32, #tpu.memory_space<vmem>>
    %dma_start3A_225 = arith.constant 0 : i32
    %dma_start3A_226 = tpu.memref_slice %arg4[%dma_start3A_225] : memref<100352xf32, #tpu.memory_space<hbm>> -> memref<100352xf32, #tpu.memory_space<hbm>>
    tpu.enqueue_indirect_dma source(%dma_start3A_226 : memref<100352xf32, #tpu.memory_space<hbm>>) target(%dma_start3A_222 : memref<128xf32, #tpu.memory_space<vmem>>) offsets(%dma_start3A_224 : memref<128xi32, #tpu.memory_space<vmem>>) semaphore(%arg23 : memref<!tpu.dma_semaphore, #tpu.memory_space<semaphore_mem>>)
    %dma_start3A_227 = arith.constant 3 : i32
    %dma_start3A_228 = arith.constant 0 : i32
    %dma_start3A_229 = tpu.memref_slice %arg15[%dma_start3A_227, %dma_start3A_228] : memref<4x128xf32, #tpu.memory_space<vmem>> -> memref<1x128xf32, #tpu.memory_space<vmem>>
    %dma_start3A_230 = tpu.memref_squeeze %dma_start3A_229 : memref<1x128xf32, #tpu.memory_space<vmem>> -> memref<128xf32, #tpu.memory_space<vmem>>
    %dma_start3A_231 = arith.constant 384 : i32
    %dma_start3A_232 = tpu.memref_slice %arg11[%dma_start3A_231] : memref<512xi32, #tpu.memory_space<vmem>> -> memref<128xi32, #tpu.memory_space<vmem>>
    %dma_start3A_233 = arith.constant 0 : i32
    %dma_start3A_234 = tpu.memref_slice %arg6[%dma_start3A_233] : memref<100352xf32, #tpu.memory_space<hbm>> -> memref<100352xf32, #tpu.memory_space<hbm>>
    tpu.enqueue_indirect_dma source(%dma_start3A_234 : memref<100352xf32, #tpu.memory_space<hbm>>) target(%dma_start3A_230 : memref<128xf32, #tpu.memory_space<vmem>>) offsets(%dma_start3A_232 : memref<128xi32, #tpu.memory_space<vmem>>) semaphore(%arg24 : memref<!tpu.dma_semaphore, #tpu.memory_space<semaphore_mem>>)
    %dma_wait3A_235 = arith.constant 0 : i32
    %dma_wait3A_236 = arith.constant 0 : i32
    %dma_wait3A_237 = arith.constant 0 : i32
    %dma_wait3A_238 = tpu.memref_slice %arg12[%dma_wait3A_235, %dma_wait3A_236, %dma_wait3A_237] : memref<3x128x128xf32, #tpu.memory_space<vmem>> -> memref<1x128x128xf32, #tpu.memory_space<vmem>>
    %dma_wait3A_239 = tpu.memref_squeeze %dma_wait3A_238 : memref<1x128x128xf32, #tpu.memory_space<vmem>> -> memref<128x128xf32, #tpu.memory_space<vmem>>
    %dma_wait3A_240 = arith.constant 384 : i32
    %dma_wait3A_241 = tpu.memref_slice %arg10[%dma_wait3A_240] : memref<512xi32, #tpu.memory_space<vmem>> -> memref<128xi32, #tpu.memory_space<vmem>>
    %dma_wait3A_242 = arith.constant 0 : i32
    %dma_wait3A_243 = arith.constant 0 : i32
    %dma_wait3A_244 = tpu.memref_slice %arg3[%dma_wait3A_242, %dma_wait3A_243] : memref<100000x128xf32, #tpu.memory_space<hbm>> -> memref<100000x128xf32, #tpu.memory_space<hbm>>
    tpu.wait_indirect_dma semaphore(%arg17 : memref<!tpu.dma_semaphore, #tpu.memory_space<semaphore_mem>>) src(%dma_wait3A_244 : memref<100000x128xf32, #tpu.memory_space<hbm>>) dst(%dma_wait3A_239 : memref<128x128xf32, #tpu.memory_space<vmem>>)
    %dma_wait3A_245 = arith.constant 0 : i32
    %dma_wait3A_246 = arith.constant 0 : i32
    %dma_wait3A_247 = arith.constant 0 : i32
    %dma_wait3A_248 = tpu.memref_slice %arg13[%dma_wait3A_245, %dma_wait3A_246, %dma_wait3A_247] : memref<3x128x128xf32, #tpu.memory_space<vmem>> -> memref<1x128x128xf32, #tpu.memory_space<vmem>>
    %dma_wait3A_249 = tpu.memref_squeeze %dma_wait3A_248 : memref<1x128x128xf32, #tpu.memory_space<vmem>> -> memref<128x128xf32, #tpu.memory_space<vmem>>
    %dma_wait3A_250 = arith.constant 384 : i32
    %dma_wait3A_251 = tpu.memref_slice %arg11[%dma_wait3A_250] : memref<512xi32, #tpu.memory_space<vmem>> -> memref<128xi32, #tpu.memory_space<vmem>>
    %dma_wait3A_252 = arith.constant 0 : i32
    %dma_wait3A_253 = arith.constant 0 : i32
    %dma_wait3A_254 = tpu.memref_slice %arg5[%dma_wait3A_252, %dma_wait3A_253] : memref<100000x128xf32, #tpu.memory_space<hbm>> -> memref<100000x128xf32, #tpu.memory_space<hbm>>
    tpu.wait_indirect_dma semaphore(%arg20 : memref<!tpu.dma_semaphore, #tpu.memory_space<semaphore_mem>>) src(%dma_wait3A_254 : memref<100000x128xf32, #tpu.memory_space<hbm>>) dst(%dma_wait3A_249 : memref<128x128xf32, #tpu.memory_space<vmem>>)
    %scan3A_255 = arith.constant 0 : i32
    %scan3A_256 = arith.constant 128 : i32
    %scan3A_257 = arith.addi %scan3A_255, %scan3A_256 : i32
    %scan3A_258 = arith.constant 2 : i32
    %scan3A_259 = scf.for %scan3A_330 = %scan3A_255 to %scan3A_257 step %scan3A_258 iter_args(%scan3A_331 = %scan3A_217) -> (vector<16xf32>)  : i32 {
      %get3A = arith.constant 0 : i32
      %get3A_332 = arith.index_cast %get3A : i32 to index
      %get3A_333 = arith.index_cast %scan3A_330 : i32 to index
      %get3A_334 = arith.constant 0 : index
      %get3A_335 = tpu.vector_load %arg12[%get3A_332, %get3A_333, %get3A_334] {strides = array<i32>} : memref<3x128x128xf32, #tpu.memory_space<vmem>>, vector<1x1x16xf32>,
      %get3A_336 = vector.shape_cast %get3A_335 : vector<1x1x16xf32> to vector<16xf32>
      %get3A_337 = arith.constant 0 : i32
      %get3A_338 = arith.index_cast %get3A_337 : i32 to index
      %get3A_339 = arith.index_cast %scan3A_330 : i32 to index
      %get3A_340 = arith.constant 0 : index
      %get3A_341 = tpu.vector_load %arg13[%get3A_338, %get3A_339, %get3A_340] {strides = array<i32>} : memref<3x128x128xf32, #tpu.memory_space<vmem>>, vector<1x1x16xf32>,
      %get3A_342 = vector.shape_cast %get3A_341 : vector<1x1x16xf32> to vector<16xf32>
      %mul3A_343 = arith.mulf %get3A_336, %get3A_342 : vector<16xf32>
      %add3A_344 = arith.addf %scan3A_331, %mul3A_343 : vector<16xf32>
      %get3A_345 = arith.constant 0 : i32
      %get3A_346 = arith.index_cast %get3A_345 : i32 to index
      %get3A_347 = arith.index_cast %scan3A_330 : i32 to index
      %get3A_348 = arith.constant 16 : index
      %get3A_349 = tpu.vector_load %arg12[%get3A_346, %get3A_347, %get3A_348] {strides = array<i32>} : memref<3x128x128xf32, #tpu.memory_space<vmem>>, vector<1x1x16xf32>,
      %get3A_350 = vector.shape_cast %get3A_349 : vector<1x1x16xf32> to vector<16xf32>
      %get3A_351 = arith.constant 0 : i32
      %get3A_352 = arith.index_cast %get3A_351 : i32 to index
      %get3A_353 = arith.index_cast %scan3A_330 : i32 to index
      %get3A_354 = arith.constant 16 : index
      %get3A_355 = tpu.vector_load %arg13[%get3A_352, %get3A_353, %get3A_354] {strides = array<i32>} : memref<3x128x128xf32, #tpu.memory_space<vmem>>, vector<1x1x16xf32>,
      %get3A_356 = vector.shape_cast %get3A_355 : vector<1x1x16xf32> to vector<16xf32>
      %mul3A_357 = arith.mulf %get3A_350, %get3A_356 : vector<16xf32>
      %add3A_358 = arith.addf %add3A_344, %mul3A_357 : vector<16xf32>
      %get3A_359 = arith.constant 0 : i32
      %get3A_360 = arith.index_cast %get3A_359 : i32 to index
      %get3A_361 = arith.index_cast %scan3A_330 : i32 to index
      %get3A_362 = arith.constant 32 : index
      %get3A_363 = tpu.vector_load %arg12[%get3A_360, %get3A_361, %get3A_362] {strides = array<i32>} : memref<3x128x128xf32, #tpu.memory_space<vmem>>, vector<1x1x16xf32>,
      %get3A_364 = vector.shape_cast %get3A_363 : vector<1x1x16xf32> to vector<16xf32>
      %get3A_365 = arith.constant 0 : i32
      %get3A_366 = arith.index_cast %get3A_365 : i32 to index
      %get3A_367 = arith.index_cast %scan3A_330 : i32 to index
      %get3A_368 = arith.constant 32 : index
      %get3A_369 = tpu.vector_load %arg13[%get3A_366, %get3A_367, %get3A_368] {strides = array<i32>} : memref<3x128x128xf32, #tpu.memory_space<vmem>>, vector<1x1x16xf32>,
      %get3A_370 = vector.shape_cast %get3A_369 : vector<1x1x16xf32> to vector<16xf32>
      %mul3A_371 = arith.mulf %get3A_364, %get3A_370 : vector<16xf32>
      %add3A_372 = arith.addf %add3A_358, %mul3A_371 : vector<16xf32>
      %get3A_373 = arith.constant 0 : i32
      %get3A_374 = arith.index_cast %get3A_373 : i32 to index
      %get3A_375 = arith.index_cast %scan3A_330 : i32 to index
      %get3A_376 = arith.constant 48 : index
      %get3A_377 = tpu.vector_load %arg12[%get3A_374, %get3A_375, %get3A_376] {strides = array<i32>} : memref<3x128x128xf32, #tpu.memory_space<vmem>>, vector<1x1x16xf32>,
      %get3A_378 = vector.shape_cast %get3A_377 : vector<1x1x16xf32> to vector<16xf32>
      %get3A_379 = arith.constant 0 : i32
      %get3A_380 = arith.index_cast %get3A_379 : i32 to index
      %get3A_381 = arith.index_cast %scan3A_330 : i32 to index
      %get3A_382 = arith.constant 48 : index
      %get3A_383 = tpu.vector_load %arg13[%get3A_380, %get3A_381, %get3A_382] {strides = array<i32>} : memref<3x128x128xf32, #tpu.memory_space<vmem>>, vector<1x1x16xf32>,
      %get3A_384 = vector.shape_cast %get3A_383 : vector<1x1x16xf32> to vector<16xf32>
      %mul3A_385 = arith.mulf %get3A_378, %get3A_384 : vector<16xf32>
      %add3A_386 = arith.addf %add3A_372, %mul3A_385 : vector<16xf32>
      %get3A_387 = arith.constant 0 : i32
      %get3A_388 = arith.index_cast %get3A_387 : i32 to index
      %get3A_389 = arith.index_cast %scan3A_330 : i32 to index
      %get3A_390 = arith.constant 64 : index
      %get3A_391 = tpu.vector_load %arg12[%get3A_388, %get3A_389, %get3A_390] {strides = array<i32>} : memref<3x128x128xf32, #tpu.memory_space<vmem>>, vector<1x1x16xf32>,
      %get3A_392 = vector.shape_cast %get3A_391 : vector<1x1x16xf32> to vector<16xf32>
      %get3A_393 = arith.constant 0 : i32
      %get3A_394 = arith.index_cast %get3A_393 : i32 to index
      %get3A_395 = arith.index_cast %scan3A_330 : i32 to index
      %get3A_396 = arith.constant 64 : index
      %get3A_397 = tpu.vector_load %arg13[%get3A_394, %get3A_395, %get3A_396] {strides = array<i32>} : memref<3x128x128xf32, #tpu.memory_space<vmem>>, vector<1x1x16xf32>,
      %get3A_398 = vector.shape_cast %get3A_397 : vector<1x1x16xf32> to vector<16xf32>
      %mul3A_399 = arith.mulf %get3A_392, %get3A_398 : vector<16xf32>
      %add3A_400 = arith.addf %add3A_386, %mul3A_399 : vector<16xf32>
      %get3A_401 = arith.constant 0 : i32
      %get3A_402 = arith.index_cast %get3A_401 : i32 to index
      %get3A_403 = arith.index_cast %scan3A_330 : i32 to index
      %get3A_404 = arith.constant 80 : index
      %get3A_405 = tpu.vector_load %arg12[%get3A_402, %get3A_403, %get3A_404] {strides = array<i32>} : memref<3x128x128xf32, #tpu.memory_space<vmem>>, vector<1x1x16xf32>,
      %get3A_406 = vector.shape_cast %get3A_405 : vector<1x1x16xf32> to vector<16xf32>
      %get3A_407 = arith.constant 0 : i32
      %get3A_408 = arith.index_cast %get3A_407 : i32 to index
      %get3A_409 = arith.index_cast %scan3A_330 : i32 to index
      %get3A_410 = arith.constant 80 : index
      %get3A_411 = tpu.vector_load %arg13[%get3A_408, %get3A_409, %get3A_410] {strides = array<i32>} : memref<3x128x128xf32, #tpu.memory_space<vmem>>, vector<1x1x16xf32>,
      %get3A_412 = vector.shape_cast %get3A_411 : vector<1x1x16xf32> to vector<16xf32>
      %mul3A_413 = arith.mulf %get3A_406, %get3A_412 : vector<16xf32>
      %add3A_414 = arith.addf %add3A_400, %mul3A_413 : vector<16xf32>
      %get3A_415 = arith.constant 0 : i32
      %get3A_416 = arith.index_cast %get3A_415 : i32 to index
      %get3A_417 = arith.index_cast %scan3A_330 : i32 to index
      %get3A_418 = arith.constant 96 : index
      %get3A_419 = tpu.vector_load %arg12[%get3A_416, %get3A_417, %get3A_418] {strides = array<i32>} : memref<3x128x128xf32, #tpu.memory_space<vmem>>, vector<1x1x16xf32>,
      %get3A_420 = vector.shape_cast %get3A_419 : vector<1x1x16xf32> to vector<16xf32>
      %get3A_421 = arith.constant 0 : i32
      %get3A_422 = arith.index_cast %get3A_421 : i32 to index
      %get3A_423 = arith.index_cast %scan3A_330 : i32 to index
      %get3A_424 = arith.constant 96 : index
      %get3A_425 = tpu.vector_load %arg13[%get3A_422, %get3A_423, %get3A_424] {strides = array<i32>} : memref<3x128x128xf32, #tpu.memory_space<vmem>>, vector<1x1x16xf32>,
      %get3A_426 = vector.shape_cast %get3A_425 : vector<1x1x16xf32> to vector<16xf32>
      %mul3A_427 = arith.mulf %get3A_420, %get3A_426 : vector<16xf32>
      %add3A_428 = arith.addf %add3A_414, %mul3A_427 : vector<16xf32>
      %get3A_429 = arith.constant 0 : i32
      %get3A_430 = arith.index_cast %get3A_429 : i32 to index
      %get3A_431 = arith.index_cast %scan3A_330 : i32 to index
      %get3A_432 = arith.constant 112 : index
      %get3A_433 = tpu.vector_load %arg12[%get3A_430, %get3A_431, %get3A_432] {strides = array<i32>} : memref<3x128x128xf32, #tpu.memory_space<vmem>>, vector<1x1x16xf32>,
      %get3A_434 = vector.shape_cast %get3A_433 : vector<1x1x16xf32> to vector<16xf32>
      %get3A_435 = arith.constant 0 : i32
      %get3A_436 = arith.index_cast %get3A_435 : i32 to index
      %get3A_437 = arith.index_cast %scan3A_330 : i32 to index
      %get3A_438 = arith.constant 112 : index
      %get3A_439 = tpu.vector_load %arg13[%get3A_436, %get3A_437, %get3A_438] {strides = array<i32>} : memref<3x128x128xf32, #tpu.memory_space<vmem>>, vector<1x1x16xf32>,
      %get3A_440 = vector.shape_cast %get3A_439 : vector<1x1x16xf32> to vector<16xf32>
      %mul3A_441 = arith.mulf %get3A_434, %get3A_440 : vector<16xf32>
      %add3A_442 = arith.addf %add3A_428, %mul3A_441 : vector<16xf32>
      %scan3A_443 = arith.constant 1 : i32
      %scan3A_444 = arith.addi %scan3A_330, %scan3A_443 : i32
      %get3A_445 = arith.constant 0 : i32
      %get3A_446 = arith.index_cast %get3A_445 : i32 to index
      %get3A_447 = arith.index_cast %scan3A_444 : i32 to index
      %get3A_448 = arith.constant 0 : index
      %get3A_449 = tpu.vector_load %arg12[%get3A_446, %get3A_447, %get3A_448] {strides = array<i32>} : memref<3x128x128xf32, #tpu.memory_space<vmem>>, vector<1x1x16xf32>,
      %get3A_450 = vector.shape_cast %get3A_449 : vector<1x1x16xf32> to vector<16xf32>
      %get3A_451 = arith.constant 0 : i32
      %get3A_452 = arith.index_cast %get3A_451 : i32 to index
      %get3A_453 = arith.index_cast %scan3A_444 : i32 to index
      %get3A_454 = arith.constant 0 : index
      %get3A_455 = tpu.vector_load %arg13[%get3A_452, %get3A_453, %get3A_454] {strides = array<i32>} : memref<3x128x128xf32, #tpu.memory_space<vmem>>, vector<1x1x16xf32>,
      %get3A_456 = vector.shape_cast %get3A_455 : vector<1x1x16xf32> to vector<16xf32>
      %mul3A_457 = arith.mulf %get3A_450, %get3A_456 : vector<16xf32>
      %add3A_458 = arith.addf %add3A_442, %mul3A_457 : vector<16xf32>
      %get3A_459 = arith.constant 0 : i32
      %get3A_460 = arith.index_cast %get3A_459 : i32 to index
      %get3A_461 = arith.index_cast %scan3A_444 : i32 to index
      %get3A_462 = arith.constant 16 : index
      %get3A_463 = tpu.vector_load %arg12[%get3A_460, %get3A_461, %get3A_462] {strides = array<i32>} : memref<3x128x128xf32, #tpu.memory_space<vmem>>, vector<1x1x16xf32>,
      %get3A_464 = vector.shape_cast %get3A_463 : vector<1x1x16xf32> to vector<16xf32>
      %get3A_465 = arith.constant 0 : i32
      %get3A_466 = arith.index_cast %get3A_465 : i32 to index
      %get3A_467 = arith.index_cast %scan3A_444 : i32 to index
      %get3A_468 = arith.constant 16 : index
      %get3A_469 = tpu.vector_load %arg13[%get3A_466, %get3A_467, %get3A_468] {strides = array<i32>} : memref<3x128x128xf32, #tpu.memory_space<vmem>>, vector<1x1x16xf32>,
      %get3A_470 = vector.shape_cast %get3A_469 : vector<1x1x16xf32> to vector<16xf32>
      %mul3A_471 = arith.mulf %get3A_464, %get3A_470 : vector<16xf32>
      %add3A_472 = arith.addf %add3A_458, %mul3A_471 : vector<16xf32>
      %get3A_473 = arith.constant 0 : i32
      %get3A_474 = arith.index_cast %get3A_473 : i32 to index
      %get3A_475 = arith.index_cast %scan3A_444 : i32 to index
      %get3A_476 = arith.constant 32 : index
      %get3A_477 = tpu.vector_load %arg12[%get3A_474, %get3A_475, %get3A_476] {strides = array<i32>} : memref<3x128x128xf32, #tpu.memory_space<vmem>>, vector<1x1x16xf32>,
      %get3A_478 = vector.shape_cast %get3A_477 : vector<1x1x16xf32> to vector<16xf32>
      %get3A_479 = arith.constant 0 : i32
      %get3A_480 = arith.index_cast %get3A_479 : i32 to index
      %get3A_481 = arith.index_cast %scan3A_444 : i32 to index
      %get3A_482 = arith.constant 32 : index
      %get3A_483 = tpu.vector_load %arg13[%get3A_480, %get3A_481, %get3A_482] {strides = array<i32>} : memref<3x128x128xf32, #tpu.memory_space<vmem>>, vector<1x1x16xf32>,
      %get3A_484 = vector.shape_cast %get3A_483 : vector<1x1x16xf32> to vector<16xf32>
      %mul3A_485 = arith.mulf %get3A_478, %get3A_484 : vector<16xf32>
      %add3A_486 = arith.addf %add3A_472, %mul3A_485 : vector<16xf32>
      %get3A_487 = arith.constant 0 : i32
      %get3A_488 = arith.index_cast %get3A_487 : i32 to index
      %get3A_489 = arith.index_cast %scan3A_444 : i32 to index
      %get3A_490 = arith.constant 48 : index
      %get3A_491 = tpu.vector_load %arg12[%get3A_488, %get3A_489, %get3A_490] {strides = array<i32>} : memref<3x128x128xf32, #tpu.memory_space<vmem>>, vector<1x1x16xf32>,
      %get3A_492 = vector.shape_cast %get3A_491 : vector<1x1x16xf32> to vector<16xf32>
      %get3A_493 = arith.constant 0 : i32
      %get3A_494 = arith.index_cast %get3A_493 : i32 to index
      %get3A_495 = arith.index_cast %scan3A_444 : i32 to index
      %get3A_496 = arith.constant 48 : index
      %get3A_497 = tpu.vector_load %arg13[%get3A_494, %get3A_495, %get3A_496] {strides = array<i32>} : memref<3x128x128xf32, #tpu.memory_space<vmem>>, vector<1x1x16xf32>,
      %get3A_498 = vector.shape_cast %get3A_497 : vector<1x1x16xf32> to vector<16xf32>
      %mul3A_499 = arith.mulf %get3A_492, %get3A_498 : vector<16xf32>
      %add3A_500 = arith.addf %add3A_486, %mul3A_499 : vector<16xf32>
      %get3A_501 = arith.constant 0 : i32
      %get3A_502 = arith.index_cast %get3A_501 : i32 to index
      %get3A_503 = arith.index_cast %scan3A_444 : i32 to index
      %get3A_504 = arith.constant 64 : index
      %get3A_505 = tpu.vector_load %arg12[%get3A_502, %get3A_503, %get3A_504] {strides = array<i32>} : memref<3x128x128xf32, #tpu.memory_space<vmem>>, vector<1x1x16xf32>,
      %get3A_506 = vector.shape_cast %get3A_505 : vector<1x1x16xf32> to vector<16xf32>
      %get3A_507 = arith.constant 0 : i32
      %get3A_508 = arith.index_cast %get3A_507 : i32 to index
      %get3A_509 = arith.index_cast %scan3A_444 : i32 to index
      %get3A_510 = arith.constant 64 : index
      %get3A_511 = tpu.vector_load %arg13[%get3A_508, %get3A_509, %get3A_510] {strides = array<i32>} : memref<3x128x128xf32, #tpu.memory_space<vmem>>, vector<1x1x16xf32>,
      %get3A_512 = vector.shape_cast %get3A_511 : vector<1x1x16xf32> to vector<16xf32>
      %mul3A_513 = arith.mulf %get3A_506, %get3A_512 : vector<16xf32>
      %add3A_514 = arith.addf %add3A_500, %mul3A_513 : vector<16xf32>
      %get3A_515 = arith.constant 0 : i32
      %get3A_516 = arith.index_cast %get3A_515 : i32 to index
      %get3A_517 = arith.index_cast %scan3A_444 : i32 to index
      %get3A_518 = arith.constant 80 : index
      %get3A_519 = tpu.vector_load %arg12[%get3A_516, %get3A_517, %get3A_518] {strides = array<i32>} : memref<3x128x128xf32, #tpu.memory_space<vmem>>, vector<1x1x16xf32>,
      %get3A_520 = vector.shape_cast %get3A_519 : vector<1x1x16xf32> to vector<16xf32>
      %get3A_521 = arith.constant 0 : i32
      %get3A_522 = arith.index_cast %get3A_521 : i32 to index
      %get3A_523 = arith.index_cast %scan3A_444 : i32 to index
      %get3A_524 = arith.constant 80 : index
      %get3A_525 = tpu.vector_load %arg13[%get3A_522, %get3A_523, %get3A_524] {strides = array<i32>} : memref<3x128x128xf32, #tpu.memory_space<vmem>>, vector<1x1x16xf32>,
      %get3A_526 = vector.shape_cast %get3A_525 : vector<1x1x16xf32> to vector<16xf32>
      %mul3A_527 = arith.mulf %get3A_520, %get3A_526 : vector<16xf32>
      %add3A_528 = arith.addf %add3A_514, %mul3A_527 : vector<16xf32>
      %get3A_529 = arith.constant 0 : i32
      %get3A_530 = arith.index_cast %get3A_529 : i32 to index
      %get3A_531 = arith.index_cast %scan3A_444 : i32 to index
      %get3A_532 = arith.constant 96 : index
      %get3A_533 = tpu.vector_load %arg12[%get3A_530, %get3A_531, %get3A_532] {strides = array<i32>} : memref<3x128x128xf32, #tpu.memory_space<vmem>>, vector<1x1x16xf32>,
      %get3A_534 = vector.shape_cast %get3A_533 : vector<1x1x16xf32> to vector<16xf32>
      %get3A_535 = arith.constant 0 : i32
      %get3A_536 = arith.index_cast %get3A_535 : i32 to index
      %get3A_537 = arith.index_cast %scan3A_444 : i32 to index
      %get3A_538 = arith.constant 96 : index
      %get3A_539 = tpu.vector_load %arg13[%get3A_536, %get3A_537, %get3A_538] {strides = array<i32>} : memref<3x128x128xf32, #tpu.memory_space<vmem>>, vector<1x1x16xf32>,
      %get3A_540 = vector.shape_cast %get3A_539 : vector<1x1x16xf32> to vector<16xf32>
      %mul3A_541 = arith.mulf %get3A_534, %get3A_540 : vector<16xf32>
      %add3A_542 = arith.addf %add3A_528, %mul3A_541 : vector<16xf32>
      %get3A_543 = arith.constant 0 : i32
      %get3A_544 = arith.index_cast %get3A_543 : i32 to index
      %get3A_545 = arith.index_cast %scan3A_444 : i32 to index
      %get3A_546 = arith.constant 112 : index
      %get3A_547 = tpu.vector_load %arg12[%get3A_544, %get3A_545, %get3A_546] {strides = array<i32>} : memref<3x128x128xf32, #tpu.memory_space<vmem>>, vector<1x1x16xf32>,
      %get3A_548 = vector.shape_cast %get3A_547 : vector<1x1x16xf32> to vector<16xf32>
      %get3A_549 = arith.constant 0 : i32
      %get3A_550 = arith.index_cast %get3A_549 : i32 to index
      %get3A_551 = arith.index_cast %scan3A_444 : i32 to index
      %get3A_552 = arith.constant 112 : index
      %get3A_553 = tpu.vector_load %arg13[%get3A_550, %get3A_551, %get3A_552] {strides = array<i32>} : memref<3x128x128xf32, #tpu.memory_space<vmem>>, vector<1x1x16xf32>,
      %get3A_554 = vector.shape_cast %get3A_553 : vector<1x1x16xf32> to vector<16xf32>
      %mul3A_555 = arith.mulf %get3A_548, %get3A_554 : vector<16xf32>
      %add3A_556 = arith.addf %add3A_542, %mul3A_555 : vector<16xf32>
      scf.yield %add3A_556 : vector<16xf32>
    }
    %scan3A_260 = arith.constant 128 : i32
    %swap3A = arith.constant 0 : index
    %swap3A_261 = tpu.vector_load %arg16[%swap3A] {strides = array<i32>} : memref<16xf32, #tpu.memory_space<vmem>>, vector<16xf32>,
    %swap3A_262 = vector.shape_cast %swap3A_261 : vector<16xf32> to vector<16xf32>
    %swap3A_263 = vector.shape_cast %scan3A_259 : vector<16xf32> to vector<16xf32>
    tpu.vector_store %arg16[%swap3A], %swap3A_263 {strides = array<i32>} : memref<16xf32, #tpu.memory_space<vmem>>, vector<16xf32>,
    %mul3A_264 = arith.constant 16 : i32
    %mul3A_265 = arith.muli %add3A, %mul3A_264 : i32
    "tpu.region"() ({
      %run_scoped3A = tpu.sem_alloc : memref<!tpu.dma_semaphore, #tpu.memory_space<semaphore_mem>>
      %dma_start3A_330 = tpu.memref_slice %arg7[%mul3A_265] : memref<512xf32, #tpu.memory_space<hbm>> -> memref<16xf32, #tpu.memory_space<hbm>>
      %dma_start3A_331 = tpu.memref_slice %arg7[%mul3A_265] : memref<512xf32, #tpu.memory_space<hbm>> -> memref<16xf32, #tpu.memory_space<hbm>>
      tpu.enqueue_dma source(%arg16 : memref<16xf32, #tpu.memory_space<vmem>>) target(%dma_start3A_331 : memref<16xf32, #tpu.memory_space<hbm>>) target_semaphore(%run_scoped3A : memref<!tpu.dma_semaphore, #tpu.memory_space<semaphore_mem>>)
      %dma_wait3A_332 = tpu.memref_slice %arg7[%mul3A_265] : memref<512xf32, #tpu.memory_space<hbm>> -> memref<16xf32, #tpu.memory_space<hbm>>
      %dma_wait3A_333 = tpu.memref_slice %arg7[%mul3A_265] : memref<512xf32, #tpu.memory_space<hbm>> -> memref<16xf32, #tpu.memory_space<hbm>>
      tpu.wait_dma2 semaphore(%run_scoped3A : memref<!tpu.dma_semaphore, #tpu.memory_space<semaphore_mem>>) src(%arg16 : memref<16xf32, #tpu.memory_space<vmem>>) dst(%dma_wait3A_333 : memref<16xf32, #tpu.memory_space<hbm>>)
      tpu.yield
    }) : () -> ()
    %dma_wait3A_266 = arith.constant 0 : i32
    %dma_wait3A_267 = arith.constant 0 : i32
    %dma_wait3A_268 = tpu.memref_slice %arg14[%dma_wait3A_266, %dma_wait3A_267] : memref<4x128xf32, #tpu.memory_space<vmem>> -> memref<1x128xf32, #tpu.memory_space<vmem>>
    %dma_wait3A_269 = tpu.memref_squeeze %dma_wait3A_268 : memref<1x128xf32, #tpu.memory_space<vmem>> -> memref<128xf32, #tpu.memory_space<vmem>>
    %dma_wait3A_270 = arith.constant 0 : i32
    %dma_wait3A_271 = tpu.memref_slice %arg10[%dma_wait3A_270] : memref<512xi32, #tpu.memory_space<vmem>> -> memref<128xi32, #tpu.memory_space<vmem>>
    %dma_wait3A_272 = arith.constant 0 : i32
    %dma_wait3A_273 = tpu.memref_slice %arg4[%dma_wait3A_272] : memref<100352xf32, #tpu.memory_space<hbm>> -> memref<100352xf32, #tpu.memory_space<hbm>>
    tpu.wait_indirect_dma semaphore(%arg23 : memref<!tpu.dma_semaphore, #tpu.memory_space<semaphore_mem>>) src(%dma_wait3A_273 : memref<100352xf32, #tpu.memory_space<hbm>>) dst(%dma_wait3A_269 : memref<128xf32, #tpu.memory_space<vmem>>)
    %dma_wait3A_274 = arith.constant 0 : i32
    %dma_wait3A_275 = arith.constant 0 : i32
    %dma_wait3A_276 = tpu.memref_slice %arg15[%dma_wait3A_274, %dma_wait3A_275] : memref<4x128xf32, #tpu.memory_space<vmem>> -> memref<1x128xf32, #tpu.memory_space<vmem>>
    %dma_wait3A_277 = tpu.memref_squeeze %dma_wait3A_276 : memref<1x128xf32, #tpu.memory_space<vmem>> -> memref<128xf32, #tpu.memory_space<vmem>>
    %dma_wait3A_278 = arith.constant 0 : i32
    %dma_wait3A_279 = tpu.memref_slice %arg11[%dma_wait3A_278] : memref<512xi32, #tpu.memory_space<vmem>> -> memref<128xi32, #tpu.memory_space<vmem>>
    %dma_wait3A_280 = arith.constant 0 : i32
    %dma_wait3A_281 = tpu.memref_slice %arg6[%dma_wait3A_280] : memref<100352xf32, #tpu.memory_space<hbm>> -> memref<100352xf32, #tpu.memory_space<hbm>>
    tpu.wait_indirect_dma semaphore(%arg24 : memref<!tpu.dma_semaphore, #tpu.memory_space<semaphore_mem>>) src(%dma_wait3A_281 : memref<100352xf32, #tpu.memory_space<hbm>>) dst(%dma_wait3A_277 : memref<128xf32, #tpu.memory_space<vmem>>)
    %dma_wait3A_282 = arith.constant 1 : i32
    %dma_wait3A_283 = arith.constant 0 : i32
    %dma_wait3A_284 = tpu.memref_slice %arg14[%dma_wait3A_282, %dma_wait3A_283] : memref<4x128xf32, #tpu.memory_space<vmem>> -> memref<1x128xf32, #tpu.memory_space<vmem>>
    %dma_wait3A_285 = tpu.memref_squeeze %dma_wait3A_284 : memref<1x128xf32, #tpu.memory_space<vmem>> -> memref<128xf32, #tpu.memory_space<vmem>>
    %dma_wait3A_286 = arith.constant 128 : i32
    %dma_wait3A_287 = tpu.memref_slice %arg10[%dma_wait3A_286] : memref<512xi32, #tpu.memory_space<vmem>> -> memref<128xi32, #tpu.memory_space<vmem>>
    %dma_wait3A_288 = arith.constant 0 : i32
    %dma_wait3A_289 = tpu.memref_slice %arg4[%dma_wait3A_288] : memref<100352xf32, #tpu.memory_space<hbm>> -> memref<100352xf32, #tpu.memory_space<hbm>>
    tpu.wait_indirect_dma semaphore(%arg23 : memref<!tpu.dma_semaphore, #tpu.memory_space<semaphore_mem>>) src(%dma_wait3A_289 : memref<100352xf32, #tpu.memory_space<hbm>>) dst(%dma_wait3A_285 : memref<128xf32, #tpu.memory_space<vmem>>)
    %dma_wait3A_290 = arith.constant 1 : i32
    %dma_wait3A_291 = arith.constant 0 : i32
    %dma_wait3A_292 = tpu.memref_slice %arg15[%dma_wait3A_290, %dma_wait3A_291] : memref<4x128xf32, #tpu.memory_space<vmem>> -> memref<1x128xf32, #tpu.memory_space<vmem>>
    %dma_wait3A_293 = tpu.memref_squeeze %dma_wait3A_292 : memref<1x128xf32, #tpu.memory_space<vmem>> -> memref<128xf32, #tpu.memory_space<vmem>>
    %dma_wait3A_294 = arith.constant 128 : i32
    %dma_wait3A_295 = tpu.memref_slice %arg11[%dma_wait3A_294] : memref<512xi32, #tpu.memory_space<vmem>> -> memref<128xi32, #tpu.memory_space<vmem>>
    %dma_wait3A_296 = arith.constant 0 : i32
    %dma_wait3A_297 = tpu.memref_slice %arg6[%dma_wait3A_296] : memref<100352xf32, #tpu.memory_space<hbm>> -> memref<100352xf32, #tpu.memory_space<hbm>>
    tpu.wait_indirect_dma semaphore(%arg24 : memref<!tpu.dma_semaphore, #tpu.memory_space<semaphore_mem>>) src(%dma_wait3A_297 : memref<100352xf32, #tpu.memory_space<hbm>>) dst(%dma_wait3A_293 : memref<128xf32, #tpu.memory_space<vmem>>)
    %dma_wait3A_298 = arith.constant 2 : i32
    %dma_wait3A_299 = arith.constant 0 : i32
    %dma_wait3A_300 = tpu.memref_slice %arg14[%dma_wait3A_298, %dma_wait3A_299] : memref<4x128xf32, #tpu.memory_space<vmem>> -> memref<1x128xf32, #tpu.memory_space<vmem>>
    %dma_wait3A_301 = tpu.memref_squeeze %dma_wait3A_300 : memref<1x128xf32, #tpu.memory_space<vmem>> -> memref<128xf32, #tpu.memory_space<vmem>>
    %dma_wait3A_302 = arith.constant 256 : i32
    %dma_wait3A_303 = tpu.memref_slice %arg10[%dma_wait3A_302] : memref<512xi32, #tpu.memory_space<vmem>> -> memref<128xi32, #tpu.memory_space<vmem>>
    %dma_wait3A_304 = arith.constant 0 : i32
    %dma_wait3A_305 = tpu.memref_slice %arg4[%dma_wait3A_304] : memref<100352xf32, #tpu.memory_space<hbm>> -> memref<100352xf32, #tpu.memory_space<hbm>>
    tpu.wait_indirect_dma semaphore(%arg23 : memref<!tpu.dma_semaphore, #tpu.memory_space<semaphore_mem>>) src(%dma_wait3A_305 : memref<100352xf32, #tpu.memory_space<hbm>>) dst(%dma_wait3A_301 : memref<128xf32, #tpu.memory_space<vmem>>)
    %dma_wait3A_306 = arith.constant 2 : i32
    %dma_wait3A_307 = arith.constant 0 : i32
    %dma_wait3A_308 = tpu.memref_slice %arg15[%dma_wait3A_306, %dma_wait3A_307] : memref<4x128xf32, #tpu.memory_space<vmem>> -> memref<1x128xf32, #tpu.memory_space<vmem>>
    %dma_wait3A_309 = tpu.memref_squeeze %dma_wait3A_308 : memref<1x128xf32, #tpu.memory_space<vmem>> -> memref<128xf32, #tpu.memory_space<vmem>>
    %dma_wait3A_310 = arith.constant 256 : i32
    %dma_wait3A_311 = tpu.memref_slice %arg11[%dma_wait3A_310] : memref<512xi32, #tpu.memory_space<vmem>> -> memref<128xi32, #tpu.memory_space<vmem>>
    %dma_wait3A_312 = arith.constant 0 : i32
    %dma_wait3A_313 = tpu.memref_slice %arg6[%dma_wait3A_312] : memref<100352xf32, #tpu.memory_space<hbm>> -> memref<100352xf32, #tpu.memory_space<hbm>>
    tpu.wait_indirect_dma semaphore(%arg24 : memref<!tpu.dma_semaphore, #tpu.memory_space<semaphore_mem>>) src(%dma_wait3A_313 : memref<100352xf32, #tpu.memory_space<hbm>>) dst(%dma_wait3A_309 : memref<128xf32, #tpu.memory_space<vmem>>)
    %dma_wait3A_314 = arith.constant 3 : i32
    %dma_wait3A_315 = arith.constant 0 : i32
    %dma_wait3A_316 = tpu.memref_slice %arg14[%dma_wait3A_314, %dma_wait3A_315] : memref<4x128xf32, #tpu.memory_space<vmem>> -> memref<1x128xf32, #tpu.memory_space<vmem>>
    %dma_wait3A_317 = tpu.memref_squeeze %dma_wait3A_316 : memref<1x128xf32, #tpu.memory_space<vmem>> -> memref<128xf32, #tpu.memory_space<vmem>>
    %dma_wait3A_318 = arith.constant 384 : i32
    %dma_wait3A_319 = tpu.memref_slice %arg10[%dma_wait3A_318] : memref<512xi32, #tpu.memory_space<vmem>> -> memref<128xi32, #tpu.memory_space<vmem>>
    %dma_wait3A_320 = arith.constant 0 : i32
    %dma_wait3A_321 = tpu.memref_slice %arg4[%dma_wait3A_320] : memref<100352xf32, #tpu.memory_space<hbm>> -> memref<100352xf32, #tpu.memory_space<hbm>>
    tpu.wait_indirect_dma semaphore(%arg23 : memref<!tpu.dma_semaphore, #tpu.memory_space<semaphore_mem>>) src(%dma_wait3A_321 : memref<100352xf32, #tpu.memory_space<hbm>>) dst(%dma_wait3A_317 : memref<128xf32, #tpu.memory_space<vmem>>)
    %dma_wait3A_322 = arith.constant 3 : i32
    %dma_wait3A_323 = arith.constant 0 : i32
    %dma_wait3A_324 = tpu.memref_slice %arg15[%dma_wait3A_322, %dma_wait3A_323] : memref<4x128xf32, #tpu.memory_space<vmem>> -> memref<1x128xf32, #tpu.memory_space<vmem>>
    %dma_wait3A_325 = tpu.memref_squeeze %dma_wait3A_324 : memref<1x128xf32, #tpu.memory_space<vmem>> -> memref<128xf32, #tpu.memory_space<vmem>>
    %dma_wait3A_326 = arith.constant 384 : i32
    %dma_wait3A_327 = tpu.memref_slice %arg11[%dma_wait3A_326] : memref<512xi32, #tpu.memory_space<vmem>> -> memref<128xi32, #tpu.memory_space<vmem>>
    %dma_wait3A_328 = arith.constant 0 : i32
    %dma_wait3A_329 = tpu.memref_slice %arg6[%dma_wait3A_328] : memref<100352xf32, #tpu.memory_space<hbm>> -> memref<100352xf32, #tpu.memory_space<hbm>>
    tpu.wait_indirect_dma semaphore(%arg24 : memref<!tpu.dma_semaphore, #tpu.memory_space<semaphore_mem>>) src(%dma_wait3A_329 : memref<100352xf32, #tpu.memory_space<hbm>>) dst(%dma_wait3A_325 : memref<128xf32, #tpu.memory_space<vmem>>)
    "tpu.region"() ({
      %run_scoped3A = tpu.sem_alloc : memref<!tpu.dma_semaphore, #tpu.memory_space<semaphore_mem>>
      %dma_start3A_330 = arith.constant 0 : i32
      %dma_start3A_331 = tpu.memref_slice %arg8[%mul3A_2, %dma_start3A_330] : memref<128x128xf32, #tpu.memory_space<hbm>> -> memref<4x128xf32, #tpu.memory_space<hbm>>
      %dma_start3A_332 = arith.constant 0 : i32
      %dma_start3A_333 = tpu.memref_slice %arg8[%mul3A_2, %dma_start3A_332] : memref<128x128xf32, #tpu.memory_space<hbm>> -> memref<4x128xf32, #tpu.memory_space<hbm>>
      tpu.enqueue_dma source(%arg14 : memref<4x128xf32, #tpu.memory_space<vmem>>) target(%dma_start3A_333 : memref<4x128xf32, #tpu.memory_space<hbm>>) target_semaphore(%run_scoped3A : memref<!tpu.dma_semaphore, #tpu.memory_space<semaphore_mem>>)
      %dma_wait3A_334 = arith.constant 0 : i32
      %dma_wait3A_335 = tpu.memref_slice %arg8[%mul3A_2, %dma_wait3A_334] : memref<128x128xf32, #tpu.memory_space<hbm>> -> memref<4x128xf32, #tpu.memory_space<hbm>>
      %dma_wait3A_336 = arith.constant 0 : i32
      %dma_wait3A_337 = tpu.memref_slice %arg8[%mul3A_2, %dma_wait3A_336] : memref<128x128xf32, #tpu.memory_space<hbm>> -> memref<4x128xf32, #tpu.memory_space<hbm>>
      tpu.wait_dma2 semaphore(%run_scoped3A : memref<!tpu.dma_semaphore, #tpu.memory_space<semaphore_mem>>) src(%arg14 : memref<4x128xf32, #tpu.memory_space<vmem>>) dst(%dma_wait3A_337 : memref<4x128xf32, #tpu.memory_space<hbm>>)
      tpu.yield
    }) : () -> ()
    "tpu.region"() ({
      %run_scoped3A = tpu.sem_alloc : memref<!tpu.dma_semaphore, #tpu.memory_space<semaphore_mem>>
      %dma_start3A_330 = arith.constant 0 : i32
      %dma_start3A_331 = tpu.memref_slice %arg9[%mul3A_2, %dma_start3A_330] : memref<128x128xf32, #tpu.memory_space<hbm>> -> memref<4x128xf32, #tpu.memory_space<hbm>>
      %dma_start3A_332 = arith.constant 0 : i32
      %dma_start3A_333 = tpu.memref_slice %arg9[%mul3A_2, %dma_start3A_332] : memref<128x128xf32, #tpu.memory_space<hbm>> -> memref<4x128xf32, #tpu.memory_space<hbm>>
      tpu.enqueue_dma source(%arg15 : memref<4x128xf32, #tpu.memory_space<vmem>>) target(%dma_start3A_333 : memref<4x128xf32, #tpu.memory_space<hbm>>) target_semaphore(%run_scoped3A : memref<!tpu.dma_semaphore, #tpu.memory_space<semaphore_mem>>)
      %dma_wait3A_334 = arith.constant 0 : i32
      %dma_wait3A_335 = tpu.memref_slice %arg9[%mul3A_2, %dma_wait3A_334] : memref<128x128xf32, #tpu.memory_space<hbm>> -> memref<4x128xf32, #tpu.memory_space<hbm>>
      %dma_wait3A_336 = arith.constant 0 : i32
      %dma_wait3A_337 = tpu.memref_slice %arg9[%mul3A_2, %dma_wait3A_336] : memref<128x128xf32, #tpu.memory_space<hbm>> -> memref<4x128xf32, #tpu.memory_space<hbm>>
      tpu.wait_dma2 semaphore(%run_scoped3A : memref<!tpu.dma_semaphore, #tpu.memory_space<semaphore_mem>>) src(%arg15 : memref<4x128xf32, #tpu.memory_space<vmem>>) dst(%dma_wait3A_337 : memref<4x128xf32, #tpu.memory_space<hbm>>)
      tpu.yield
    }) : () -> ()
    return
  }
}

module attributes {stable_mosaic.version = 14 : i64} {
  func.func @_combine(%arg0: memref<4x128xf32, #tpu.memory_space<vmem>>, %arg1: memref<128x128xf32, #tpu.memory_space<vmem>>, %arg2: memref<128x128xf32, #tpu.memory_space<vmem>>, %arg3: memref<128x128xf32, #tpu.memory_space<vmem>>) attributes {dimension_semantics = [], scalar_prefetch = 0 : i64, scratch_operands = 0 : i64, tpu.core_type = #tpu.core_type<tc>} {
    %get3A = arith.constant 0 : index
    %get3A_0 = arith.constant 0 : index
    %get3A_1 = vector.load %arg0[%get3A, %get3A_0] : memref<4x128xf32, #tpu.memory_space<vmem>>, vector<4x128xf32>
    %reduce_sum3A = vector.shape_cast %get3A_1 : vector<4x128xf32> to vector<1x4x128xf32>
    %reduce_sum3A_2 = arith.constant dense<0.000000e+00> : vector<1xf32>
    %reduce_sum3A_3 = vector.multi_reduction <add>, %reduce_sum3A, %reduce_sum3A_2 [1, 2] : vector<1x4x128xf32> to vector<1xf32>
    %reduce_sum3A_4 = vector.shape_cast %reduce_sum3A_3 : vector<1xf32> to vector<1x1x1xf32>
    %reduce_sum3A_5 = vector.extract %reduce_sum3A_4[0, 0, 0] : f32 from vector<1x1x1xf32>
    %get3A_6 = arith.constant 0 : index
    %get3A_7 = arith.constant 0 : index
    %get3A_8 = vector.load %arg1[%get3A_6, %get3A_7] : memref<128x128xf32, #tpu.memory_space<vmem>>, vector<128x128xf32>
    %add3A = vector.broadcast %reduce_sum3A_5 : f32 to vector<128x128xf32>
    %add3A_9 = arith.addf %add3A, %get3A_8 : vector<128x128xf32>
    %get3A_10 = arith.constant 0 : index
    %get3A_11 = arith.constant 0 : index
    %get3A_12 = vector.load %arg2[%get3A_10, %get3A_11] : memref<128x128xf32, #tpu.memory_space<vmem>>, vector<128x128xf32>
    %add3A_13 = arith.addf %add3A_9, %get3A_12 : vector<128x128xf32>
    %logistic3A = arith.negf %add3A_13 : vector<128x128xf32>
    %logistic3A_14 = math.exp %logistic3A : vector<128x128xf32>
    %logistic3A_15 = arith.constant 1.000000e+00 : f32
    %logistic3A_16 = vector.broadcast %logistic3A_15 : f32 to vector<128x128xf32>
    %logistic3A_17 = arith.addf %logistic3A_16, %logistic3A_14 : vector<128x128xf32>
    %logistic3A_18 = arith.divf %logistic3A_16, %logistic3A_17 : vector<128x128xf32>
    %swap3A = arith.constant 0 : index
    %swap3A_19 = arith.constant 0 : index
    %swap3A_20 = vector.load %arg3[%swap3A, %swap3A_19] : memref<128x128xf32, #tpu.memory_space<vmem>>, vector<128x128xf32>
    tpu.vector_store %arg3[%swap3A, %swap3A_19], %logistic3A_18 {strides = array<i32>} : memref<128x128xf32, #tpu.memory_space<vmem>>, vector<128x128xf32>,
    return
  }
}

</mosaic_0001>

<sc_bundles>
// kernel: kernel.4.cloned.1.call-start
scs
__scs_entry_jumppad:
0x0: {  	(pc) =	sbr.rel $0x88, $3  }
0x1: {  	(tag) =	ssettag $0x0;
	lr =	simm.s32 $0x1  }
0x2: {  	[smem:$0x3F9C] =	sst lr;
	_ =	strace $0xD0000000  }
0x3: {  	_ = 	snop  }
0x4: {  	_ = 	snop  }
0x5: {  	_ = 	snop  }
0x6: {  	_ = 	snop  }
0x7: {  	_ = 	snop  }
__scs_overlays_trampoline_lowered:
0x8: {  	[smem:$0x3FAB] =	sst s0  }
0x9: {  	[smem:$0x3FAC] =	sst s1  }
0xa: {  	[smem:$0x3FAD] =	sst s2  }
0xb: {  	[smem:$0x3FAE] =	sst s3  }
0xc: {  	[smem:$0x3FAF] =	sst s4  }
0xd: {  	[smem:$0x3FB0] =	sst s5  }
0xe: {  	[smem:$0x3FB1] =	sst s6  }
0xf: {  	[smem:$0x3FB2] =	sst s7  }
0x10: {  	[smem:$0x3FB3] =	sst s8  }
0x11: {  	[smem:$0x3FB4] =	sst s9;
	s0 =	simm.s32 @!p0 $0x0  }
0x12: {  	s1 =	sld [smem:$0x3F9A];
	s0 =	simm.s32 @p0 $0x1  }
0x13: {  	[smem:$0x3FB5] =	sst s0;
	s0 =	simm.s32 @!p1 $0x0  }
0x14: {  	s2 =	sld [smem:$0x3F99];
	s0 =	simm.s32 @p1 $0x1  }
0x15: {  	[smem:$0x3FB6] =	sst s0;
	s0 =	simm.s32 @!p2 $0x0  }
0x16: {  	s3 =	sld [smem:$0x3FDB];
	s0 =	simm.s32 @p2 $0x1  }
0x17: {  	s4 =	simm.s32 $0x1BF5;
	[smem:$0x3FB8] =	sst s0  }
0x18: {  	s0 =	sld [smem:$0x3F9B];
	_ =	swait.ge [sflag:s4], $0x0  }
0x19: {  	s7 =	sld [smem:$0x3F9C]  }
0x1a: {  	s8 =	sadd.s32 $0xFFFFE003, lr  }
0x1b: {  	s9 =	sadd.s32 $0xFFFFFEF7, lr;
	s5 =	simm.s32 $0xFFFFFFFF;
	p2 =	slt.u32 s8, $0xFFFFF086  }
0x1c: {  	p1 =	slt.u32 s9, $0xF7A;
	s5 =	simm.s32 @!p2 $0x0  }
0x1d: {  	s5 =	simm.s32 @p1 $0x1;
	p0 =	seq.s32 s7, s2  }
0x1e: {  	s7 =	smul.u32 @!p0 $0xF7A, s2;
	p2 =	seq.s32 @!p0 s5, $0x0  }
0x1f: {  	s9 =	smul.u32 $0xF7A, s1;
	s8 =	simm.s32 @!p0 $0x1BF5;
	p2 =	por !p2, p0  }
0x20: {  	[sflag:s8] =	ssyncset.s32 @!p0 $0xFFFFF086;
	s6 =	sadd.s32 @!p0 s3, s7;
	s7 =	simm.s32 @!p0 $0x108  }
0x21: {  	s3 =	sadd.s32 s3, s9;
	s6 =	sadd.s32 @!p0 $0x88, s6;
	s7 =	simm.s32 @p2 $0x1082  }
0x22: {  	[simem:s7], [sflag:s8] =	dma.local @!p0 [hbm:s6], $0xF7A  }
0x23: {  	s9 =	sor.u32 $0xD0000000, s2;
	s6 =	simm.s32 $0x108;
	_ =	swait.ge @!p0 [sflag:s8], $0x0  }
0x24: {  	s3 =	sadd.s32 $0x88, s3;
	s6 =	simm.s32 @!p1 $0x1082;
	[sflag:s4] =	ssyncset.s32 $0xFFFFF086  }
0x25: {  	[simem:s6], [sflag:s4] =	dma.local [hbm:s3], $0xF7A  }
0x26: {  	[smem:$0x3F9C] =	sst s1;
	(tag) =	ssettag s2;
	_ =	strace s9  }
0x27: {  	s1 =	sld [smem:$0x3FAC]  }
0x28: {  	s2 =	sld [smem:$0x3FAD]  }
0x29: {  	s4 =	sld [smem:$0x3FAF]  }
0x2a: {  	p0 =	seq.s32 s5, $0x0;
	s5 =	sld [smem:$0x3FB0]  }
0x2b: {  	s6 =	sld [smem:$0x3FB1]  }
0x2c: {  	s7 =	sld [smem:$0x3FB2]  }
0x2d: {  	s3 =	simm.s32 $0x108;
	s8 =	sld [smem:$0x3FB3]  }
0x2e: {  	s3 =	simm.s32 @!p0 $0x1082;
	s9 =	sld [smem:$0x3FB4]  }
0x2f: {  	lr =	sadd.s32 s0, s3;
	s0 =	sld [smem:$0x3FAB]  }
0x30: {  	s3 =	sld [smem:$0x3FAE]  }
0x31: {  	[smem:$0x3FB7] =	sst s10  }
0x32: {  	s10 =	sld [smem:$0x3FB5];
	_ =	sdelay $0x3  }
0x33: {  	p0 =	seq.s32 s10, $0x1;
	s10 =	sld [smem:$0x3FB7];
	_ =	sdelay $0x3  }
0x34: {  	[smem:$0x3FB7] =	sst s10  }
0x35: {  	s10 =	sld [smem:$0x3FB6];
	_ =	sdelay $0x3  }
0x36: {  	p1 =	seq.s32 s10, $0x1;
	s10 =	sld [smem:$0x3FB7];
	_ =	sdelay $0x3  }
0x37: {  	[smem:$0x3FB7] =	sst s10  }
0x38: {  	s10 =	sld [smem:$0x3FB8]  }
0x39: {  	_ = 	snop;
	(pc) =	sbr.ind lr, $3  }
0x3a: {  	_ = 	snop  }
0x3b: {  	_ = 	snop  }
0x3c: {  	p2 =	seq.s32 s10, $0x1;
	s10 =	sld [smem:$0x3FB7]  }
0x3d: {  	_ =	shalt  }
0x3e: {  	_ =	shalt  }
0x3f: {  	_ =	shalt  }
0x40: {  	_ =	shalt  }
0x41: {  	_ =	shalt  }
0x42: {  	_ =	shalt  }
0x43: {  	_ =	shalt  }
0x44: {  	_ =	shalt  }
0x45: {  	_ =	shalt  }
0x46: {  	_ =	shalt  }
0x47: {  	_ =	shalt  }
0x48: {  	_ =	shalt  }
0x49: {  	_ =	shalt  }
0x4a: {  	_ =	shalt  }
0x4b: {  	_ =	shalt  }
0x4c: {  	_ =	shalt  }
0x4d: {  	_ =	shalt  }
0x4e: {  	_ =	shalt  }
0x4f: {  	_ =	shalt  }
0x50: {  	_ =	shalt  }
0x51: {  	_ =	shalt  }
0x52: {  	_ =	shalt  }
0x53: {  	_ =	shalt  }
0x54: {  	_ =	shalt  }
0x55: {  	_ =	shalt  }
0x56: {  	_ =	shalt  }
0x57: {  	_ =	shalt  }
0x58: {  	_ =	shalt  }
0x59: {  	_ =	shalt  }
0x5a: {  	_ =	shalt  }
0x5b: {  	_ =	shalt  }
0x5c: {  	_ =	shalt  }
0x5d: {  	_ =	shalt  }
0x5e: {  	_ =	shalt  }
0x5f: {  	_ =	shalt  }
0x60: {  	_ =	shalt  }
0x61: {  	_ =	shalt  }
0x62: {  	_ =	shalt  }
0x63: {  	_ =	shalt  }
0x64: {  	_ =	shalt  }
0x65: {  	_ =	shalt  }
0x66: {  	_ =	shalt  }
0x67: {  	_ =	shalt  }
0x68: {  	_ =	shalt  }
0x69: {  	_ =	shalt  }
0x6a: {  	_ =	shalt  }
0x6b: {  	_ =	shalt  }
0x6c: {  	_ =	shalt  }
0x6d: {  	_ =	shalt  }
0x6e: {  	_ =	shalt  }
0x6f: {  	_ =	shalt  }
0x70: {  	_ =	shalt  }
0x71: {  	_ =	shalt  }
0x72: {  	_ =	shalt  }
0x73: {  	_ =	shalt  }
0x74: {  	_ =	shalt  }
0x75: {  	_ =	shalt  }
0x76: {  	_ =	shalt  }
0x77: {  	_ =	shalt  }
0x78: {  	_ =	shalt  }
0x79: {  	_ =	shalt  }
0x7a: {  	_ =	shalt  }
0x7b: {  	_ =	shalt  }
0x7c: {  	_ =	shalt  }
0x7d: {  	_ =	shalt  }
0x7e: {  	_ =	shalt  }
0x7f: {  	_ =	shalt  }
0x80: {  	_ =	shalt  }
0x81: {  	_ =	shalt  }
0x82: {  	_ =	shalt  }
0x83: {  	_ =	shalt  }
0x84: {  	_ =	shalt  }
0x85: {  	_ =	shalt  }
0x86: {  	_ =	shalt  }
0x87: {  	_ =	shalt  }
.Lfunc_end0:
.L_simem_size_0:
called_computation_lowered:
.L_overlay_start_0:
0x88: {  	s2 =	sld [smem:$0x3FD9]  }
0x89: {  	s3 =	sld [smem:$0x3FFE];
	_ =	sdelay $0x1  }
0x8a: {  	s1 =	srdreg.scid  }
0x8b: {  	s0 =	sand.u32 $0x1, s1  }
0x8c: {  	s17 =	sshll.u32 s0, $0xA;
	s2 =	sadd.s32 s3, s2  }
0x8d: {  	s2 =	sadd.s32 s2, s17  }
0x8e: {  	[smem:$0x3FC3] =	sst s2  }
0x8f: {  	_ = 	snop  }
0x90: {  	s2 =	sld [smem:$0x3FC8]  }
0x91: {  	s18 =	sld [smem:$0x3FC6]  }
0x92: {  	s4 =	sld [smem:$0x3FD0];
	(tm) =	ssettm $0x1  }
0x93: {  	s5 =	sld [smem:$0x3FFB];
	_ =	sdelay $0x3  }
0x94: {  	_ =	strace s5  }
0x95: {  	s5 =	sld [smem:$0x3FFC];
	_ =	sdelay $0x3  }
0x96: {  	_ =	strace s5  }
0x97: {  	s5 =	sld [smem:$0x3FFD];
	_ =	sdelay $0x3  }
0x98: {  	_ =	strace s5  }
0x99: {  	_ =	strace $0x8FFFFFFF  }
0x9a: {  	s19 =	sld [smem:$0x3FDB];
	_ =	sdelay $0x1  }
0x9b: {  	s6 =	simm.s32 $_scs_section_size  }
0x9c: {  	s7 =	simm.s32 $_size__tile_overlayer_lowered;
	s8 =	simm.s32 $_tile_overlayer_lowered  }
0x9d: {  	s22 =	simm.s32 $0x1BFF;
	s21 =	sshll.u32 s8, $0x1;
	s5 =	sadd.s32 s6, s19  }
0x9e: {  	s9 =	simm.s32 $0x0;
	s20 =	sshll.u32 s7, $0x1;
	s7 =	sadd.s32 s21, s5  }
0x9f: {  	[timem:s9], [sflag:s22] =	dma.local [hbm:s7], s20  }
0xa0: {  	_ =	swait.ge [sflag:s22], s20  }
0xa1: {  	s6 =	ssub.s32 $0x0, s20;
	[sflag:s22] =	ssyncset.done $0x0  }
0xa2: {  	[sflag:s22] =	ssyncadd.s32 s6;
	_ =	sdelay $0x1  }
0xa3: {  	s23 =	simm.s32 $0x1B8B  }
0xa4: {  	_ =	swait.ge [sflag:s23], $0x1  }
0xa5: {  	[sflag:s23] =	ssyncset.done $0x0  }
0xa6: {  	s25 =	simm.s32 $0x1B8E;
	s24 =	sld [smem:$0x3FFE];
	[sflag:s23] =	ssyncadd.s32 $0xFFFFFFFF  }
0xa7: {  	s26 =	simm.s32 $execute0_lowered;
	[smem:$0x3FD2] =	sst s25  }
0xa8: {  	s7 =	sshll.u32 s26, $0x1;
	_ =	strace $0x80000046;
	[dreg:$0x1] =	wrdreg $0xFFFFFFFF  }
0xa9: {  	s28 =	simm.s32 $_size_execute0_lowered;
	s5 =	sadd.s32 s5, s7;
	[dreg:$0x0] =	wrdreg $0x0  }
0xaa: {  	s7 =	sshll.u32 s28, $0x1;
	[dreg:$0x2] =	wrdreg s5  }
0xab: {  	[dreg:$0x3] =	wrdreg s7  }
0xac: {  	[dreg:$0x4] =	wrdreg $0xC0  }
0xad: {  	_ =	task [dreg:s9], $0x5FFFF  }
0xae: {  	[dreg:$0x1] =	wrdreg $0xFFFFFFFF  }
0xaf: {  	[dreg:$0x0] =	wrdreg $0x60  }
0xb0: {  	[dreg:$0x2] =	wrdreg s24  }
0xb1: {  	[dreg:$0x3] =	wrdreg s2  }
0xb2: {  	[dreg:$0x4] =	wrdreg s18  }
0xb3: {  	[dreg:$0x5] =	wrdreg s4  }
0xb4: {  	[dreg:$0x6] =	wrdreg $0x9  }
0xb5: {  	_ =	task.clear_ibuf [dreg:s9], $0x7FFFF;
	_ =	strace $0x90000046  }
0xb6: {  	s29 =	simm.s32 $0x9;
	_ =	strace $0x80000048  }
0xb7: {  	_ =	swait.ge [sflag:s29], $0x1  }
0xb8: {  	[sflag:s29] =	ssyncadd.s32 $0xFFFFFFFF  }
0xb9: {  	_ =	strace $0x90000048  }
0xba: {  	_ =	sfence  }
0xbb: {  	s30 =	sld [smem:$0x0];
	_ =	sdelay $0x2  }
0xbc: {  	s31 =	sshll.u32 s1, $0xD;
	s1 =	sshrl.u32 s1, $0x2  }
0xbd: {  	s3 =	sand.u32 $0x4000, s31;
	s1 =	sadd.s32 s1, s30  }
0xbe: {  	s0 =	sor.u32 s3, s0;
	s1 =	sshll.u32 s1, $0x11  }
0xbf: {  	s0 =	sor.u32 s1, s0  }
0xc0: {  	s0 =	sadd.s32 $0x8F2B, s0  }
0xc1: {  	[sflag:s0] =	ssyncadd.remote.s32 $0x1  }
0xc2: {  	_ =	sfence.sel $0xFFFF  }
0xc3: {  	[dreg:$0x0] =	wrdreg $0xFFFFFFFF;
	(pc) =	sbr.abs _section_cstart, $3  }
0xc4: {  	[dreg:$0x1] =	wrdreg $0xFFFFFFFF  }
0xc5: {  	_ =	task.clear_ibuf [dreg:s9], $0x2FFFF;
	_ =	strace $0x9FFFFFFF  }
0xc6: {  	(tm) =	ssettm $0x7FFFFFFF  }
0xc7: {  	_ =	shalt  }
tec
execute0_lowered:
.L_overlay_start_1:
0x0: {  	(tag) =	ssettag $0x1  }
0x1: {  	s0 =	rddreg [dreg:$0x0]  }
0x2: {  	s1 =	rddreg [dreg:$0x1]  }
0x3: {  	s3 =	rddreg [dreg:$0x2]  }
0x4: {  	s2 =	srdreg.scid;
	s11 =	stileid.u32  }
0x5: {  	s7 =	rddreg [dreg:$0x3];
	s4 =	simm.s32 $0x0;
	s13 =	simm.s32 $0x200  }
0x6: {  	s14 =	simm.s32 $0x1;
	s15 =	simm.s32 $0x4;
	s16 =	simm.s32 $0x80  }
0x7: {  	s22 =	simm.s32 $0x100;
	s28 =	simm.s32 $0x18600;
	s29 =	simm.s32 $0x180  }
0x8: {  	s30 =	simm.s32 $0x380;
	s19 =	simm.s32 $0x5;
	s31 =	simm.s32 $0x6  }
0x9: {  	s21 =	simm.s32 $0x7;
	s23 =	simm.s32 $0x8;
	s17 =	simm.s32 $0x0  }
0xa: {  	s2 =	sand.u32 $0x1, s2;
	s5 =	sshll.u32 s11, $0x1;
	[smem:$0x7FF] =	sst s4  }
0xb: {  	s6 =	sadd.s32 $0x5000, s0;
	s11 =	sshll.u32 s11, $0x7;
	s8 =	sor.u32 s2, s5  }
0xc: {  	_ =	strace $0x80000047;
	s10 =	sshll.u32 s2, $0x6;
	s2 =	ssub.s32 $0x2, s2  }
0xd: {  	s5 =	sshll.u32 s8, $0x6;
	s8 =	sshll.u32 s8, $0x1;
	s10 =	sor.u32 s10, s11  }
0xe: {  	s25 =	sshrl.u32 s2, $0x1;
	s9 =	sadd.s32 s5, s0;
	s5 =	sadd.s32 $0x1E00, s0  }
0xf: {  	s24 =	sadd.s32 s8, s0;
	s0 =	sadd.s32 s10, s0;
	s2 =	ssub.s32 s2, s25  }
0x10: {  	s10 =	sadd.s32 s7, s10;
	s25 =	simm.s32 $0x3;
	s26 =	sadd.s32 $0xE00, s9  }
0x11: {  	s8 =	sadd.s32 $0x1600, s9;
	s9 =	sadd.s32 $0x8A00, s24;
	s11 =	sadd.s32 $0x8200, s0  }
0x12: {  	s12 =	smax.u32 s2, $0x1;
	s24 =	simm.s32 $0x300;
	s0 =	simm.s32 $0x2  }
0x13: {  	s2 =	simm.s32 $0x9;
	[dreg:$0x5] =	wrdreg s26;
	s26 =	simm.s32 $0x18400  }
.LBB2_1:
0x14: {  	s7 =	rddreg [dreg:$0x5]  }
0x15: {  	[tilespmem:s4], [sflag:$0x1] =	stream.linear.gather [hbm4b:s7+s4], $0x200, $0x38;
	[tilespmem:$0x18880] =	vst v63  }
0x16: {  	_ = 	snop  }
0x17: {  	[tilespmem:s13], [sflag:$0x4] =	stream.linear.gather [hbm4b:s8+s4], $0x200, $0x38;
	[tilespmem:$0x18880] =	vst v63  }
0x18: {  	_ =	swait.ge [sflag:s14], $0x200  }
0x19: {  	[sflag:s14] =	ssyncset.done $0x0  }
0x1a: {  	[sflag:s14] =	ssyncadd.s32 $0xFFFFFE00  }
0x1b: {  	_ =	swait.ge [sflag:s15], $0x200  }
0x1c: {  	[sflag:s15] =	ssyncset.done $0x0  }
0x1d: {  	s18 =	simm.s32 $0x400;
	[sflag:s15] =	ssyncadd.s32 $0xFFFFFE00  }
0x1e: {  	[tilespmem:s18], [sflag:$0x1] =	stream.indirect.gather [hbm4b:s1+s16], $0x80, s4, s16, $0xb8;
	[tilespmem:$0x18880] =	vst v63  }
0x1f: {  	s20 =	simm.s32 $0xC400  }
0x20: {  	[tilespmem:s20], [sflag:$0x4] =	stream.indirect.gather [hbm4b:s3+s16], $0x80, s13, s16, $0xb8;
	[tilespmem:$0x18880] =	vst v63  }
0x21: {  	s18 =	simm.s32 $0x4400  }
0x22: {  	[tilespmem:s18], [sflag:$0x2] =	stream.indirect.gather [hbm4b:s1+s16], $0x80, s16, s16, $0xb8;
	[tilespmem:$0x18880] =	vst v63  }
0x23: {  	s20 =	simm.s32 $0x280;
	s18 =	simm.s32 $0x10400  }
0x24: {  	[tilespmem:s18], [sflag:$0x5] =	stream.indirect.gather [hbm4b:s3+s16], $0x80, s20, s16, $0xb8;
	[tilespmem:$0x18880] =	vst v63  }
0x25: {  	s20 =	simm.s32 $0x8400  }
0x26: {  	[tilespmem:s20], [sflag:$0x3] =	stream.indirect.gather [hbm4b:s1+s16], $0x80, s22, s16, $0xb8;
	[tilespmem:$0x18880] =	vst v63  }
0x27: {  	s18 =	simm.s32 $0x14400  }
0x28: {  	[tilespmem:s18], [sflag:$0x6] =	stream.indirect.gather [hbm4b:s3+s16], $0x80, s24, s16, $0xb8;
	[tilespmem:$0x18880] =	vst v63  }
0x29: {  	_ = 	snop  }
0x2a: {  	[tilespmem:s26], [sflag:$0x7] =	stream.indirect.gather [hbm4b:s5+s16], $0x1, s4, s16, $0xb8;
	[tilespmem:$0x18880] =	vst v63  }
0x2b: {  	_ = 	snop  }
0x2c: {  	[tilespmem:s28], [sflag:$0x8] =	stream.indirect.gather [hbm4b:s6+s16], $0x1, s13, s16, $0xb8;
	[tilespmem:$0x18880] =	vst v63  }
0x2d: {  	_ =	swait.ge [sflag:s14], $0x4000  }
0x2e: {  	[sflag:s14] =	ssyncset.done $0x0  }
0x2f: {  	[sflag:s14] =	ssyncadd.s32 $0xFFFFC000  }
0x30: {  	_ =	swait.ge [sflag:s15], $0x4000  }
0x31: {  	[sflag:s15] =	ssyncset.done $0x0  }
0x32: {  	s20 =	simm.s32 $0x480;
	[sflag:s15] =	ssyncadd.s32 $0xFFFFC000  }
0x33: {  	s18 =	simm.s32 $0xC480;
	v0 =	vld [tilespmem:s20+$0xFFFFFF80]  }
0x34: {  	v1 =	vld [tilespmem:s18+$0xFFFFFF80]  }
0x35: {  	v2 =	vld [tilespmem:s20+$0xFFFFFF90]  }
0x36: {  	v3 =	vld [tilespmem:s18+$0xFFFFFF90]  }
0x37: {  	v4 =	vld [tilespmem:s20+$0xFFFFFFA0]  }
0x38: {  	v5 =	vld [tilespmem:s18+$0xFFFFFFA0]  }
0x39: {  	v6 =	vld [tilespmem:s20+$0xFFFFFFB0];
	v0 =	vmul.f32 v1, v0  }
0x3a: {  	v7 =	vimm.f32 $0.0e+00;
	v1 =	vld [tilespmem:s18+$0xFFFFFFB0]  }
0x3b: {  	v8 =	vld [tilespmem:s20+$0xFFFFFFC0];
	v2 =	vmul.f32 v3, v2;
	v0 =	vadd.f32 v0, v7  }
0x3c: {  	v3 =	vld [tilespmem:s18+$0xFFFFFFC0]  }
0x3d: {  	v7 =	vld [tilespmem:s20+$0xFFFFFFD0];
	v0 =	vadd.f32 v2, v0;
	v2 =	vmul.f32 v5, v4  }
0x3e: {  	v4 =	vld [tilespmem:s18+$0xFFFFFFD0]  }
0x3f: {  	v5 =	vld [tilespmem:s20+$0xFFFFFFE0];
	v1 =	vmul.f32 v1, v6;
	v0 =	vadd.f32 v2, v0  }
0x40: {  	v2 =	vld [tilespmem:s18+$0xFFFFFFE0]  }
0x41: {  	v6 =	vld [tilespmem:s20+$0xFFFFFFF0];
	v0 =	vadd.f32 v1, v0;
	v1 =	vmul.f32 v3, v8  }
0x42: {  	v3 =	vld [tilespmem:s18+$0xFFFFFFF0]  }
0x43: {  	v8 =	vld [tilespmem:s20+$0x0];
	v0 =	vadd.f32 v1, v0;
	v1 =	vmul.f32 v4, v7  }
0x44: {  	v4 =	vld [tilespmem:s18+$0x0]  }
0x45: {  	v7 =	vld [tilespmem:s20+$0x10];
	v0 =	vadd.f32 v1, v0;
	v1 =	vmul.f32 v2, v5  }
0x46: {  	v2 =	vld [tilespmem:s18+$0x10]  }
0x47: {  	v5 =	vld [tilespmem:s20+$0x20];
	v0 =	vadd.f32 v1, v0;
	v1 =	vmul.f32 v3, v6  }
0x48: {  	v3 =	vld [tilespmem:s18+$0x20]  }
0x49: {  	v6 =	vld [tilespmem:s20+$0x30];
	v0 =	vadd.f32 v1, v0;
	v1 =	vmul.f32 v4, v8  }
0x4a: {  	v4 =	vld [tilespmem:s18+$0x30]  }
0x4b: {  	v8 =	vld [tilespmem:s20+$0x40];
	v0 =	vadd.f32 v1, v0;
	v1 =	vmul.f32 v2, v7  }
0x4c: {  	v7 =	vld [tilespmem:s18+$0x40]  }
0x4d: {  	v2 =	vld [tilespmem:s20+$0x50];
	v3 =	vmul.f32 v3, v5;
	v1 =	vadd.f32 v1, v0  }
0x4e: {  	v5 =	vld [tilespmem:s18+$0x50]  }
0x4f: {  	v0 =	vld [tilespmem:s20+$0x60];
	v4 =	vmul.f32 v4, v6;
	v9 =	vadd.f32 v3, v1  }
0x50: {  	v3 =	vld [tilespmem:s18+$0x60]  }
0x51: {  	v1 =	vld [tilespmem:s20+$0x70];
	v7 =	vmul.f32 v7, v8;
	v6 =	vadd.f32 v4, v9  }
0x52: {  	s7 =	simm.s32 $0x0;
	s20 =	simm.s32 $0x580;
	v4 =	vld [tilespmem:s18+$0x70]  }
.LBB2_2:
0x53: {  	v8 =	vld [tilespmem:s20+$0xFFFFFF80];
	v6 =	vadd.f32 v7, v6;
	v2 =	vmul.f32 v5, v2;
	s18 =	sadd.s32 $0x100, s18  }
0x54: {  	s7 =	sadd.s32 $0x2, s7;
	v5 =	vld [tilespmem:s18+$0xFFFFFF80]  }
0x55: {  	p0 =	slt.u32 s7, $0x7E;
	v7 =	vld [tilespmem:s20+$0xFFFFFF90];
	v2 =	vadd.f32 v2, v6;
	v0 =	vmul.f32 v3, v0  }
0x56: {  	v3 =	vld [tilespmem:s18+$0xFFFFFF90]  }
0x57: {  	v6 =	vld [tilespmem:s20+$0xFFFFFFA0];
	v0 =	vadd.f32 v0, v2;
	v1 =	vmul.f32 v4, v1  }
0x58: {  	v2 =	vld [tilespmem:s18+$0xFFFFFFA0]  }
0x59: {  	v4 =	vmul.f32 v5, v8;
	v5 =	vld [tilespmem:s20+$0xFFFFFFB0];
	v0 =	vadd.f32 v1, v0  }
0x5a: {  	v1 =	vld [tilespmem:s18+$0xFFFFFFB0]  }
0x5b: {  	v0 =	vadd.f32 v4, v0;
	v3 =	vmul.f32 v3, v7;
	v4 =	vld [tilespmem:s20+$0xFFFFFFC0]  }
0x5c: {  	v7 =	vld [tilespmem:s18+$0xFFFFFFC0]  }
0x5d: {  	v0 =	vadd.f32 v3, v0;
	v2 =	vmul.f32 v2, v6;
	v3 =	vld [tilespmem:s20+$0xFFFFFFD0]  }
0x5e: {  	v6 =	vld [tilespmem:s18+$0xFFFFFFD0]  }
0x5f: {  	v0 =	vadd.f32 v2, v0;
	v1 =	vmul.f32 v1, v5;
	v2 =	vld [tilespmem:s20+$0xFFFFFFE0]  }
0x60: {  	v5 =	vld [tilespmem:s18+$0xFFFFFFE0]  }
0x61: {  	v0 =	vadd.f32 v1, v0;
	v1 =	vmul.f32 v7, v4;
	v4 =	vld [tilespmem:s20+$0xFFFFFFF0]  }
0x62: {  	v7 =	vld [tilespmem:s18+$0xFFFFFFF0]  }
0x63: {  	v0 =	vadd.f32 v1, v0;
	v1 =	vmul.f32 v6, v3;
	v3 =	vld [tilespmem:s20+$0x0]  }
0x64: {  	v6 =	vld [tilespmem:s18+$0x0]  }
0x65: {  	v0 =	vadd.f32 v1, v0;
	v1 =	vmul.f32 v5, v2;
	v2 =	vld [tilespmem:s20+$0x10]  }
0x66: {  	v5 =	vld [tilespmem:s18+$0x10]  }
0x67: {  	v0 =	vadd.f32 v1, v0;
	v1 =	vmul.f32 v7, v4;
	v4 =	vld [tilespmem:s20+$0x20]  }
0x68: {  	v7 =	vld [tilespmem:s18+$0x20]  }
0x69: {  	v0 =	vadd.f32 v1, v0;
	v1 =	vmul.f32 v6, v3;
	v3 =	vld [tilespmem:s20+$0x30]  }
0x6a: {  	v6 =	vld [tilespmem:s18+$0x30]  }
0x6b: {  	v0 =	vadd.f32 v1, v0;
	v1 =	vmul.f32 v5, v2;
	v8 =	vld [tilespmem:s20+$0x40]  }
0x6c: {  	v9 =	vld [tilespmem:s18+$0x40]  }
0x6d: {  	v0 =	vadd.f32 v1, v0;
	v1 =	vmul.f32 v7, v4;
	v2 =	vld [tilespmem:s20+$0x50]  }
.Ltmp0:
0x6e: {  	v5 =	vld [tilespmem:s18+$0x50];
	(pc) =	sbr.rel @p0 .LBB2_2-.Ltmp0, $4  }
0x6f: {  	v1 =	vadd.f32 v1, v0;
	v4 =	vmul.f32 v6, v3;
	v0 =	vld [tilespmem:s20+$0x60]  }
0x70: {  	v3 =	vld [tilespmem:s18+$0x60]  }
0x71: {  	v6 =	vadd.f32 v4, v1;
	v7 =	vmul.f32 v9, v8;
	v1 =	vld [tilespmem:s20+$0x70]  }
0x72: {  	s20 =	sadd.s32 $0x100, s20;
	v4 =	vld [tilespmem:s18+$0x70]  }
0x73: {  	s7 =	simm.s32 $0x400  }
0x74: {  	[tilespmem:s7], [sflag:$0x1] =	stream.indirect.gather [hbm4b:s1+s16], $0x80, s29, s16, $0xb8;
	[tilespmem:$0x18880] =	vst v63  }
0x75: {  	s20 =	simm.s32 $0xC400  }
0x76: {  	[tilespmem:s20], [sflag:$0x4] =	stream.indirect.gather [hbm4b:s3+s16], $0x80, s30, s16, $0xb8;
	[tilespmem:$0x18880] =	vst v63  }
0x77: {  	s18 =	simm.s32 $0x18480  }
0x78: {  	[tilespmem:s18], [sflag:$0x7] =	stream.indirect.gather [hbm4b:s5+s16], $0x1, s16, s16, $0xb8;
	[tilespmem:$0x18880] =	vst v63  }
0x79: {  	s20 =	simm.s32 $0x280;
	s18 =	simm.s32 $0x18680  }
0x7a: {  	[tilespmem:s18], [sflag:$0x8] =	stream.indirect.gather [hbm4b:s6+s16], $0x1, s20, s16, $0xb8;
	[tilespmem:$0x18880] =	vst v63  }
0x7b: {  	_ =	swait.ge [sflag:s0], $0x4000  }
0x7c: {  	[sflag:s0] =	ssyncset.done $0x0  }
0x7d: {  	[sflag:s0] =	ssyncadd.s32 $0xFFFFC000  }
0x7e: {  	_ =	swait.ge [sflag:s19], $0x4000  }
0x7f: {  	[sflag:s19] =	ssyncset.done $0x0  }
0x80: {  	s18 =	simm.s32 $0x0;
	[sflag:s19] =	ssyncadd.s32 $0xFFFFC000  }
0x81: {  	v6 =	vadd.f32 v7, v6;
	v2 =	vmul.f32 v5, v2;
	v5 =	vld [tilespmem:s18+$0x4400]  }
0x82: {  	v7 =	vld [tilespmem:s18+$0x10400]  }
0x83: {  	v2 =	vadd.f32 v2, v6;
	v0 =	vmul.f32 v3, v0;
	v3 =	vld [tilespmem:s18+$0x4410]  }
0x84: {  	v6 =	vld [tilespmem:s18+$0x10410]  }
0x85: {  	v0 =	vadd.f32 v0, v2;
	v1 =	vmul.f32 v4, v1;
	v2 =	vld [tilespmem:s18+$0x4420]  }
0x86: {  	v4 =	vld [tilespmem:s18+$0x10420]  }
0x87: {  	v0 =	vadd.f32 v1, v0;
	v1 =	vmul.f32 v7, v5;
	v5 =	vld [tilespmem:s18+$0x4430]  }
0x88: {  	v7 =	vld [tilespmem:s18+$0x10430]  }
0x89: {  	v0 =	vadd.f32 v1, v0;
	v1 =	vmul.f32 v6, v3;
	v3 =	vld [tilespmem:s18+$0x4440]  }
0x8a: {  	v6 =	vld [tilespmem:s18+$0x10440]  }
0x8b: {  	v0 =	vadd.f32 v1, v0;
	v1 =	vmul.f32 v4, v2;
	v2 =	vld [tilespmem:s18+$0x4450]  }
0x8c: {  	v4 =	vld [tilespmem:s18+$0x10450]  }
0x8d: {  	v0 =	vadd.f32 v1, v0;
	v1 =	vmul.f32 v7, v5;
	v5 =	vld [tilespmem:s18+$0x4460]  }
0x8e: {  	v7 =	vld [tilespmem:s18+$0x10460]  }
0x8f: {  	v0 =	vadd.f32 v1, v0;
	v1 =	vmul.f32 v6, v3;
	v3 =	vld [tilespmem:s18+$0x4470]  }
0x90: {  	v6 =	vld [tilespmem:s18+$0x10470]  }
0x91: {  	v0 =	vadd.f32 v1, v0;
	v1 =	vmul.f32 v4, v2;
	v2 =	vld [tilespmem:s18+$0x4480]  }
0x92: {  	v4 =	vld [tilespmem:s18+$0x10480]  }
0x93: {  	v0 =	vadd.f32 v1, v0;
	v1 =	vmul.f32 v7, v5;
	v5 =	vld [tilespmem:s18+$0x4490]  }
0x94: {  	v7 =	vld [tilespmem:s18+$0x10490]  }
0x95: {  	v0 =	vadd.f32 v1, v0;
	v1 =	vmul.f32 v6, v3;
	v3 =	vld [tilespmem:s18+$0x44A0]  }
0x96: {  	v6 =	vld [tilespmem:s18+$0x104A0]  }
0x97: {  	v8 =	vld [tilespmem:s18+$0x104B0];
	v0 =	vadd.f32 v1, v0;
	v1 =	vmul.f32 v4, v2  }
0x98: {  	v2 =	vld [tilespmem:s18+$0x44B0]  }
0x99: {  	v9 =	vld [tilespmem:s18+$0x104C0];
	v0 =	vadd.f32 v1, v0;
	v1 =	vmul.f32 v7, v5  }
0x9a: {  	v7 =	vld [tilespmem:s18+$0x44C0]  }
0x9b: {  	v4 =	vld [tilespmem:s18+$0x104D0];
	v3 =	vmul.f32 v6, v3;
	v0 =	vadd.f32 v1, v0  }
0x9c: {  	v1 =	vld [tilespmem:s18+$0x44D0]  }
0x9d: {  	v2 =	vmul.f32 v8, v2;
	v5 =	vadd.f32 v3, v0;
	v0 =	vld [tilespmem:s18+$0x44E0]  }
0x9e: {  	v3 =	vld [tilespmem:s18+$0x104E0]  }
0x9f: {  	s7 =	simm.s32 $0x0;
	s20 =	simm.s32 $0x400;
	v6 =	vmul.f32 v9, v7;
	v5 =	vadd.f32 v2, v5;
	v2 =	vld [tilespmem:s18+$0x44F0]  }
.LBB2_4:
0xa0: {  	v7 =	vld [tilespmem:s18+$0x104F0];
	s18 =	sshra.s32 s20, $0x2  }
0xa1: {  	s7 =	sadd.s32 $0x2, s7;
	v8 =	vld [tilespmem:s18+$0x4400];
	v5 =	vadd.f32 v6, v5;
	v1 =	vmul.f32 v4, v1  }
0xa2: {  	p0 =	slt.u32 s7, $0x7E;
	v4 =	vld [tilespmem:s18+$0x10400]  }
0xa3: {  	v6 =	vld [tilespmem:s18+$0x4410];
	v1 =	vadd.f32 v1, v5;
	v0 =	vmul.f32 v3, v0  }
0xa4: {  	v3 =	vld [tilespmem:s18+$0x10410]  }
0xa5: {  	v5 =	vld [tilespmem:s18+$0x4420];
	v0 =	vadd.f32 v0, v1;
	v1 =	vmul.f32 v7, v2  }
0xa6: {  	v2 =	vld [tilespmem:s18+$0x10420]  }
0xa7: {  	v4 =	vmul.f32 v4, v8;
	v7 =	vld [tilespmem:s18+$0x4430];
	v0 =	vadd.f32 v1, v0  }
0xa8: {  	v1 =	vld [tilespmem:s18+$0x10430]  }
0xa9: {  	v0 =	vadd.f32 v4, v0;
	v3 =	vmul.f32 v3, v6;
	v4 =	vld [tilespmem:s18+$0x4440]  }
0xaa: {  	v6 =	vld [tilespmem:s18+$0x10440]  }
0xab: {  	v0 =	vadd.f32 v3, v0;
	v2 =	vmul.f32 v2, v5;
	v3 =	vld [tilespmem:s18+$0x4450]  }
0xac: {  	v5 =	vld [tilespmem:s18+$0x10450]  }
0xad: {  	v0 =	vadd.f32 v2, v0;
	v1 =	vmul.f32 v1, v7;
	v2 =	vld [tilespmem:s18+$0x4460]  }
0xae: {  	v7 =	vld [tilespmem:s18+$0x10460]  }
0xaf: {  	v0 =	vadd.f32 v1, v0;
	v1 =	vmul.f32 v6, v4;
	v4 =	vld [tilespmem:s18+$0x4470]  }
0xb0: {  	v6 =	vld [tilespmem:s18+$0x10470]  }
0xb1: {  	v0 =	vadd.f32 v1, v0;
	v1 =	vmul.f32 v5, v3;
	v3 =	vld [tilespmem:s18+$0x4480]  }
0xb2: {  	v5 =	vld [tilespmem:s18+$0x10480]  }
0xb3: {  	v0 =	vadd.f32 v1, v0;
	v1 =	vmul.f32 v7, v2;
	v2 =	vld [tilespmem:s18+$0x4490]  }
0xb4: {  	v7 =	vld [tilespmem:s18+$0x10490]  }
0xb5: {  	v0 =	vadd.f32 v1, v0;
	v1 =	vmul.f32 v6, v4;
	v4 =	vld [tilespmem:s18+$0x44A0]  }
0xb6: {  	v6 =	vld [tilespmem:s18+$0x104A0]  }
0xb7: {  	v0 =	vadd.f32 v1, v0;
	v1 =	vmul.f32 v5, v3;
	v3 =	vld [tilespmem:s18+$0x44B0]  }
0xb8: {  	v5 =	vld [tilespmem:s18+$0x104B0]  }
0xb9: {  	v0 =	vadd.f32 v1, v0;
	v1 =	vmul.f32 v7, v2;
	v2 =	vld [tilespmem:s18+$0x44C0]  }
0xba: {  	v7 =	vld [tilespmem:s18+$0x104C0]  }
.Ltmp1:
0xbb: {  	v0 =	vadd.f32 v1, v0;
	v6 =	vmul.f32 v6, v4;
	v1 =	vld [tilespmem:s18+$0x44D0];
	(pc) =	sbr.rel @p0 .LBB2_4-.Ltmp1, $4  }
0xbc: {  	v4 =	vld [tilespmem:s18+$0x104D0]  }
0xbd: {  	v6 =	vadd.f32 v6, v0;
	v5 =	vmul.f32 v5, v3;
	v0 =	vld [tilespmem:s18+$0x44E0]  }
0xbe: {  	v3 =	vld [tilespmem:s18+$0x104E0]  }
0xbf: {  	s20 =	sadd.s32 $0x400, s20;
	v5 =	vadd.f32 v5, v6;
	v6 =	vmul.f32 v7, v2;
	v2 =	vld [tilespmem:s18+$0x44F0]  }
0xc0: {  	s7 =	simm.s32 $0x18500  }
0xc1: {  	v7 =	vld [tilespmem:s18+$0x104F0];
	[tilespmem:s7], [sflag:$0x7] =	stream.indirect.gather [hbm4b:s5+s16], $0x1, s22, s16, $0xb8  }
0xc2: {  	s20 =	simm.s32 $0x18700  }
0xc3: {  	[tilespmem:s20], [sflag:$0x8] =	stream.indirect.gather [hbm4b:s6+s16], $0x1, s24, s16, $0xb8;
	[tilespmem:$0x18880] =	vst v63  }
0xc4: {  	_ =	swait.ge [sflag:s25], $0x4000  }
0xc5: {  	[sflag:s25] =	ssyncset.done $0x0  }
0xc6: {  	[sflag:s25] =	ssyncadd.s32 $0xFFFFC000  }
0xc7: {  	_ =	swait.ge [sflag:s31], $0x4000  }
0xc8: {  	[sflag:s31] =	ssyncset.done $0x0  }
0xc9: {  	s18 =	simm.s32 $0x0;
	[sflag:s31] =	ssyncadd.s32 $0xFFFFC000  }
0xca: {  	v5 =	vadd.f32 v6, v5;
	v1 =	vmul.f32 v4, v1;
	v4 =	vld [tilespmem:s18+$0x8400]  }
0xcb: {  	v6 =	vld [tilespmem:s18+$0x14400]  }
0xcc: {  	v1 =	vadd.f32 v1, v5;
	v0 =	vmul.f32 v3, v0;
	v3 =	vld [tilespmem:s18+$0x8410]  }
0xcd: {  	v5 =	vld [tilespmem:s18+$0x14410]  }
0xce: {  	v0 =	vadd.f32 v0, v1;
	v1 =	vmul.f32 v7, v2;
	v2 =	vld [tilespmem:s18+$0x8420]  }
0xcf: {  	v7 =	vld [tilespmem:s18+$0x14420]  }
0xd0: {  	v0 =	vadd.f32 v1, v0;
	v1 =	vmul.f32 v6, v4;
	v4 =	vld [tilespmem:s18+$0x8430]  }
0xd1: {  	v6 =	vld [tilespmem:s18+$0x14430]  }
0xd2: {  	v0 =	vadd.f32 v1, v0;
	v1 =	vmul.f32 v5, v3;
	v3 =	vld [tilespmem:s18+$0x8440]  }
0xd3: {  	v5 =	vld [tilespmem:s18+$0x14440]  }
0xd4: {  	v0 =	vadd.f32 v1, v0;
	v1 =	vmul.f32 v7, v2;
	v2 =	vld [tilespmem:s18+$0x8450]  }
0xd5: {  	v7 =	vld [tilespmem:s18+$0x14450]  }
0xd6: {  	v0 =	vadd.f32 v1, v0;
	v1 =	vmul.f32 v6, v4;
	v4 =	vld [tilespmem:s18+$0x8460]  }
0xd7: {  	v6 =	vld [tilespmem:s18+$0x14460]  }
0xd8: {  	v0 =	vadd.f32 v1, v0;
	v1 =	vmul.f32 v5, v3;
	v3 =	vld [tilespmem:s18+$0x8470]  }
0xd9: {  	v5 =	vld [tilespmem:s18+$0x14470]  }
0xda: {  	v0 =	vadd.f32 v1, v0;
	v1 =	vmul.f32 v7, v2;
	v2 =	vld [tilespmem:s18+$0x8480]  }
0xdb: {  	v7 =	vld [tilespmem:s18+$0x14480]  }
0xdc: {  	v0 =	vadd.f32 v1, v0;
	v1 =	vmul.f32 v6, v4;
	v4 =	vld [tilespmem:s18+$0x8490]  }
0xdd: {  	v6 =	vld [tilespmem:s18+$0x14490]  }
0xde: {  	v0 =	vadd.f32 v1, v0;
	v1 =	vmul.f32 v5, v3;
	v3 =	vld [tilespmem:s18+$0x84A0]  }
0xdf: {  	v5 =	vld [tilespmem:s18+$0x144A0]  }
0xe0: {  	v0 =	vadd.f32 v1, v0;
	v1 =	vmul.f32 v7, v2;
	v2 =	vld [tilespmem:s18+$0x84B0]  }
0xe1: {  	v7 =	vld [tilespmem:s18+$0x144B0]  }
0xe2: {  	v8 =	vld [tilespmem:s18+$0x144C0];
	v0 =	vadd.f32 v1, v0;
	v1 =	vmul.f32 v6, v4  }
0xe3: {  	v6 =	vld [tilespmem:s18+$0x84C0]  }
0xe4: {  	v4 =	vld [tilespmem:s18+$0x144D0];
	v3 =	vmul.f32 v5, v3;
	v0 =	vadd.f32 v1, v0  }
0xe5: {  	v1 =	vld [tilespmem:s18+$0x84D0]  }
0xe6: {  	v2 =	vmul.f32 v7, v2;
	v5 =	vadd.f32 v3, v0;
	v0 =	vld [tilespmem:s18+$0x84E0]  }
0xe7: {  	v3 =	vld [tilespmem:s18+$0x144E0]  }
0xe8: {  	s7 =	simm.s32 $0x0;
	s20 =	simm.s32 $0x400;
	v6 =	vmul.f32 v8, v6;
	v5 =	vadd.f32 v2, v5;
	v2 =	vld [tilespmem:s18+$0x84F0]  }
.LBB2_6:
0xe9: {  	v7 =	vld [tilespmem:s18+$0x144F0];
	s18 =	sshra.s32 s20, $0x2  }
0xea: {  	s7 =	sadd.s32 $0x2, s7;
	v8 =	vld [tilespmem:s18+$0x8400];
	v5 =	vadd.f32 v6, v5;
	v1 =	vmul.f32 v4, v1  }
0xeb: {  	p0 =	slt.u32 s7, $0x7E;
	v4 =	vld [tilespmem:s18+$0x14400]  }
0xec: {  	v6 =	vld [tilespmem:s18+$0x8410];
	v1 =	vadd.f32 v1, v5;
	v0 =	vmul.f32 v3, v0  }
0xed: {  	v3 =	vld [tilespmem:s18+$0x14410]  }
0xee: {  	v5 =	vld [tilespmem:s18+$0x8420];
	v0 =	vadd.f32 v0, v1;
	v1 =	vmul.f32 v7, v2  }
0xef: {  	v2 =	vld [tilespmem:s18+$0x14420]  }
0xf0: {  	v4 =	vmul.f32 v4, v8;
	v7 =	vld [tilespmem:s18+$0x8430];
	v0 =	vadd.f32 v1, v0  }
0xf1: {  	v1 =	vld [tilespmem:s18+$0x14430]  }
0xf2: {  	v0 =	vadd.f32 v4, v0;
	v3 =	vmul.f32 v3, v6;
	v4 =	vld [tilespmem:s18+$0x8440]  }
0xf3: {  	v6 =	vld [tilespmem:s18+$0x14440]  }
0xf4: {  	v0 =	vadd.f32 v3, v0;
	v2 =	vmul.f32 v2, v5;
	v3 =	vld [tilespmem:s18+$0x8450]  }
0xf5: {  	v5 =	vld [tilespmem:s18+$0x14450]  }
0xf6: {  	v0 =	vadd.f32 v2, v0;
	v1 =	vmul.f32 v1, v7;
	v2 =	vld [tilespmem:s18+$0x8460]  }
0xf7: {  	v7 =	vld [tilespmem:s18+$0x14460]  }
0xf8: {  	v0 =	vadd.f32 v1, v0;
	v1 =	vmul.f32 v6, v4;
	v4 =	vld [tilespmem:s18+$0x8470]  }
0xf9: {  	v6 =	vld [tilespmem:s18+$0x14470]  }
0xfa: {  	v0 =	vadd.f32 v1, v0;
	v1 =	vmul.f32 v5, v3;
	v3 =	vld [tilespmem:s18+$0x8480]  }
0xfb: {  	v5 =	vld [tilespmem:s18+$0x14480]  }
0xfc: {  	v0 =	vadd.f32 v1, v0;
	v1 =	vmul.f32 v7, v2;
	v2 =	vld [tilespmem:s18+$0x8490]  }
0xfd: {  	v7 =	vld [tilespmem:s18+$0x14490]  }
0xfe: {  	v0 =	vadd.f32 v1, v0;
	v1 =	vmul.f32 v6, v4;
	v4 =	vld [tilespmem:s18+$0x84A0]  }
0xff: {  	v6 =	vld [tilespmem:s18+$0x144A0]  }
0x100: {  	v0 =	vadd.f32 v1, v0;
	v1 =	vmul.f32 v5, v3;
	v3 =	vld [tilespmem:s18+$0x84B0]  }
0x101: {  	v5 =	vld [tilespmem:s18+$0x144B0]  }
0x102: {  	v0 =	vadd.f32 v1, v0;
	v1 =	vmul.f32 v7, v2;
	v2 =	vld [tilespmem:s18+$0x84C0]  }
0x103: {  	v7 =	vld [tilespmem:s18+$0x144C0]  }
.Ltmp2:
0x104: {  	v0 =	vadd.f32 v1, v0;
	v6 =	vmul.f32 v6, v4;
	v1 =	vld [tilespmem:s18+$0x84D0];
	(pc) =	sbr.rel @p0 .LBB2_6-.Ltmp2, $4  }
0x105: {  	v4 =	vld [tilespmem:s18+$0x144D0]  }
0x106: {  	v6 =	vadd.f32 v6, v0;
	v5 =	vmul.f32 v5, v3;
	v0 =	vld [tilespmem:s18+$0x84E0]  }
0x107: {  	v3 =	vld [tilespmem:s18+$0x144E0]  }
0x108: {  	s20 =	sadd.s32 $0x400, s20;
	v5 =	vadd.f32 v5, v6;
	v6 =	vmul.f32 v7, v2;
	v2 =	vld [tilespmem:s18+$0x84F0]  }
0x109: {  	s7 =	simm.s32 $0x18580  }
0x10a: {  	v7 =	vld [tilespmem:s18+$0x144F0];
	[tilespmem:s7], [sflag:$0x7] =	stream.indirect.gather [hbm4b:s5+s16], $0x1, s29, s16, $0xb8  }
0x10b: {  	s18 =	simm.s32 $0x18780  }
0x10c: {  	[tilespmem:s18], [sflag:$0x8] =	stream.indirect.gather [hbm4b:s6+s16], $0x1, s30, s16, $0xb8;
	[tilespmem:$0x18880] =	vst v63  }
0x10d: {  	_ =	swait.ge [sflag:s14], $0x4000  }
0x10e: {  	[sflag:s14] =	ssyncset.done $0x0  }
0x10f: {  	[sflag:s14] =	ssyncadd.s32 $0xFFFFC000  }
0x110: {  	_ =	swait.ge [sflag:s15], $0x4000  }
0x111: {  	[sflag:s15] =	ssyncset.done $0x0  }
0x112: {  	s20 =	simm.s32 $0x480;
	[sflag:s15] =	ssyncadd.s32 $0xFFFFC000  }
0x113: {  	v5 =	vadd.f32 v6, v5;
	v1 =	vmul.f32 v4, v1;
	s18 =	simm.s32 $0xC480;
	v8 =	vld [tilespmem:s20+$0xFFFFFF80]  }
0x114: {  	v4 =	vld [tilespmem:s18+$0xFFFFFF80]  }
0x115: {  	v1 =	vadd.f32 v1, v5;
	v0 =	vmul.f32 v3, v0;
	v6 =	vld [tilespmem:s20+$0xFFFFFF90]  }
0x116: {  	v3 =	vld [tilespmem:s18+$0xFFFFFF90]  }
0x117: {  	v0 =	vadd.f32 v0, v1;
	v1 =	vmul.f32 v7, v2;
	v5 =	vld [tilespmem:s20+$0xFFFFFFA0]  }
0x118: {  	v2 =	vld [tilespmem:s18+$0xFFFFFFA0]  }
0x119: {  	v0 =	vadd.f32 v1, v0;
	v7 =	vld [tilespmem:s20+$0xFFFFFFB0];
	v1 =	vmul.f32 v4, v8  }
0x11a: {  	v4 =	vld [tilespmem:s18+$0xFFFFFFB0]  }
0x11b: {  	v8 =	vld [tilespmem:s20+$0xFFFFFFC0];
	v0 =	vadd.f32 v1, v0;
	v1 =	vmul.f32 v3, v6  }
0x11c: {  	v3 =	vld [tilespmem:s18+$0xFFFFFFC0]  }
0x11d: {  	v6 =	vld [tilespmem:s20+$0xFFFFFFD0];
	v0 =	vadd.f32 v1, v0;
	v1 =	vmul.f32 v2, v5  }
0x11e: {  	v2 =	vld [tilespmem:s18+$0xFFFFFFD0]  }
0x11f: {  	v5 =	vld [tilespmem:s20+$0xFFFFFFE0];
	v0 =	vadd.f32 v1, v0;
	v1 =	vmul.f32 v4, v7  }
0x120: {  	v4 =	vld [tilespmem:s18+$0xFFFFFFE0]  }
0x121: {  	v7 =	vld [tilespmem:s20+$0xFFFFFFF0];
	v0 =	vadd.f32 v1, v0;
	v1 =	vmul.f32 v3, v8  }
0x122: {  	v3 =	vld [tilespmem:s18+$0xFFFFFFF0]  }
0x123: {  	v8 =	vld [tilespmem:s20+$0x0];
	v0 =	vadd.f32 v1, v0;
	v1 =	vmul.f32 v2, v6  }
0x124: {  	v2 =	vld [tilespmem:s18+$0x0]  }
0x125: {  	v6 =	vld [tilespmem:s20+$0x10];
	v0 =	vadd.f32 v1, v0;
	v1 =	vmul.f32 v4, v5  }
0x126: {  	v4 =	vld [tilespmem:s18+$0x10]  }
0x127: {  	v5 =	vld [tilespmem:s20+$0x20];
	v0 =	vadd.f32 v1, v0;
	v1 =	vmul.f32 v3, v7  }
0x128: {  	v3 =	vld [tilespmem:s18+$0x20]  }
0x129: {  	v7 =	vld [tilespmem:s20+$0x30];
	v0 =	vadd.f32 v1, v0;
	v1 =	vmul.f32 v2, v8  }
0x12a: {  	v2 =	vld [tilespmem:s18+$0x30]  }
0x12b: {  	v9 =	vld [tilespmem:s18+$0x40];
	v4 =	vmul.f32 v4, v6;
	v0 =	vadd.f32 v1, v0  }
0x12c: {  	v8 =	vld [tilespmem:s20+$0x40]  }
0x12d: {  	v1 =	vld [tilespmem:s20+$0x50];
	v3 =	vmul.f32 v3, v5;
	v6 =	vadd.f32 v4, v0  }
0x12e: {  	v4 =	vld [tilespmem:s18+$0x50]  }
0x12f: {  	v0 =	vld [tilespmem:s20+$0x60];
	v5 =	vadd.f32 v3, v6;
	v6 =	vmul.f32 v2, v7  }
0x130: {  	v3 =	vld [tilespmem:s18+$0x60]  }
0x131: {  	v2 =	vld [tilespmem:s20+$0x70];
	v7 =	vmul.f32 v9, v8;
	v6 =	vadd.f32 v6, v5  }
0x132: {  	s7 =	simm.s32 $0x0;
	s20 =	simm.s32 $0x580;
	v5 =	vld [tilespmem:s18+$0x70]  }
.LBB2_8:
0x133: {  	v8 =	vld [tilespmem:s20+$0xFFFFFF80];
	v6 =	vadd.f32 v7, v6;
	v1 =	vmul.f32 v4, v1;
	s18 =	sadd.s32 $0x100, s18  }
0x134: {  	s7 =	sadd.s32 $0x2, s7;
	v4 =	vld [tilespmem:s18+$0xFFFFFF80]  }
0x135: {  	p0 =	slt.u32 s7, $0x7E;
	v7 =	vld [tilespmem:s20+$0xFFFFFF90];
	v1 =	vadd.f32 v1, v6;
	v0 =	vmul.f32 v3, v0  }
0x136: {  	v3 =	vld [tilespmem:s18+$0xFFFFFF90]  }
0x137: {  	v6 =	vld [tilespmem:s20+$0xFFFFFFA0];
	v0 =	vadd.f32 v0, v1;
	v1 =	vmul.f32 v5, v2  }
0x138: {  	v2 =	vld [tilespmem:s18+$0xFFFFFFA0]  }
0x139: {  	v4 =	vmul.f32 v4, v8;
	v5 =	vld [tilespmem:s20+$0xFFFFFFB0];
	v0 =	vadd.f32 v1, v0  }
0x13a: {  	v1 =	vld [tilespmem:s18+$0xFFFFFFB0]  }
0x13b: {  	v0 =	vadd.f32 v4, v0;
	v3 =	vmul.f32 v3, v7;
	v4 =	vld [tilespmem:s20+$0xFFFFFFC0]  }
0x13c: {  	v7 =	vld [tilespmem:s18+$0xFFFFFFC0]  }
0x13d: {  	v0 =	vadd.f32 v3, v0;
	v2 =	vmul.f32 v2, v6;
	v3 =	vld [tilespmem:s20+$0xFFFFFFD0]  }
0x13e: {  	v6 =	vld [tilespmem:s18+$0xFFFFFFD0]  }
0x13f: {  	v0 =	vadd.f32 v2, v0;
	v1 =	vmul.f32 v1, v5;
	v2 =	vld [tilespmem:s20+$0xFFFFFFE0]  }
0x140: {  	v5 =	vld [tilespmem:s18+$0xFFFFFFE0]  }
0x141: {  	v0 =	vadd.f32 v1, v0;
	v1 =	vmul.f32 v7, v4;
	v4 =	vld [tilespmem:s20+$0xFFFFFFF0]  }
0x142: {  	v7 =	vld [tilespmem:s18+$0xFFFFFFF0]  }
0x143: {  	v0 =	vadd.f32 v1, v0;
	v1 =	vmul.f32 v6, v3;
	v3 =	vld [tilespmem:s20+$0x0]  }
0x144: {  	v6 =	vld [tilespmem:s18+$0x0]  }
0x145: {  	v0 =	vadd.f32 v1, v0;
	v1 =	vmul.f32 v5, v2;
	v2 =	vld [tilespmem:s20+$0x10]  }
0x146: {  	v5 =	vld [tilespmem:s18+$0x10]  }
0x147: {  	v0 =	vadd.f32 v1, v0;
	v1 =	vmul.f32 v7, v4;
	v4 =	vld [tilespmem:s20+$0x20]  }
0x148: {  	v7 =	vld [tilespmem:s18+$0x20]  }
0x149: {  	v0 =	vadd.f32 v1, v0;
	v1 =	vmul.f32 v6, v3;
	v3 =	vld [tilespmem:s20+$0x30]  }
0x14a: {  	v6 =	vld [tilespmem:s18+$0x30]  }
0x14b: {  	v0 =	vadd.f32 v1, v0;
	v1 =	vmul.f32 v5, v2;
	v2 =	vld [tilespmem:s20+$0x40]  }
0x14c: {  	v5 =	vld [tilespmem:s18+$0x40]  }
0x14d: {  	v0 =	vadd.f32 v1, v0;
	v7 =	vmul.f32 v7, v4;
	v1 =	vld [tilespmem:s20+$0x50]  }
.Ltmp3:
0x14e: {  	v4 =	vld [tilespmem:s18+$0x50];
	(pc) =	sbr.rel @p0 .LBB2_8-.Ltmp3, $4  }
0x14f: {  	v7 =	vadd.f32 v7, v0;
	v6 =	vmul.f32 v6, v3;
	v0 =	vld [tilespmem:s20+$0x60]  }
0x150: {  	v3 =	vld [tilespmem:s18+$0x60]  }
0x151: {  	v6 =	vadd.f32 v6, v7;
	v7 =	vmul.f32 v5, v2;
	v2 =	vld [tilespmem:s20+$0x70]  }
0x152: {  	s20 =	sadd.s32 $0x100, s20;
	v5 =	vld [tilespmem:s18+$0x70]  }
0x153: {  	v6 =	vadd.f32 v7, v6;
	v1 =	vmul.f32 v4, v1;
	_ =	sdelay $0x1  }
0x154: {  	v1 =	vadd.f32 v1, v6;
	v0 =	vmul.f32 v3, v0;
	_ =	sdelay $0x1  }
0x155: {  	v0 =	vadd.f32 v0, v1;
	v63 =	vmul.f32 v5, v2;
	_ =	sdelay $0x1  }
0x156: {  	v0 =	vadd.f32 v63, v0;
	_ =	sdelay $0x1  }
0x157: {  	s7 =	simm.s32 $0x18800;
	[tilespmem:$0x18800] =	vst v0  }
0x158: {  	[hbm4b:s9+s4] =	stream.linear.scatter [tilespmem:s7], [sflag:$0x9], $0x10, $0x38;
	[tilespmem:$0x18880] =	vst v63  }
0x159: {  	_ =	swait.ge [sflag:s2], $0x10  }
0x15a: {  	[sflag:s2] =	ssyncset.done $0x0  }
0x15b: {  	[sflag:s2] =	ssyncadd.s32 $0xFFFFFFF0  }
0x15c: {  	_ =	swait.ge [sflag:s21], $0x80  }
0x15d: {  	[sflag:s21] =	ssyncset.done $0x0  }
0x15e: {  	[sflag:s21] =	ssyncadd.s32 $0xFFFFFF80  }
0x15f: {  	_ =	swait.ge [sflag:s23], $0x80  }
0x160: {  	[sflag:s23] =	ssyncset.done $0x0  }
0x161: {  	[sflag:s23] =	ssyncadd.s32 $0xFFFFFF80  }
0x162: {  	_ =	swait.ge [sflag:s21], $0x80  }
0x163: {  	[sflag:s21] =	ssyncset.done $0x0  }
0x164: {  	[sflag:s21] =	ssyncadd.s32 $0xFFFFFF80  }
0x165: {  	_ =	swait.ge [sflag:s23], $0x80  }
0x166: {  	[sflag:s23] =	ssyncset.done $0x0  }
0x167: {  	[sflag:s23] =	ssyncadd.s32 $0xFFFFFF80  }
0x168: {  	_ =	swait.ge [sflag:s21], $0x80  }
0x169: {  	[sflag:s21] =	ssyncset.done $0x0  }
0x16a: {  	[sflag:s21] =	ssyncadd.s32 $0xFFFFFF80  }
0x16b: {  	_ =	swait.ge [sflag:s23], $0x80  }
0x16c: {  	[sflag:s23] =	ssyncset.done $0x0  }
0x16d: {  	[sflag:s23] =	ssyncadd.s32 $0xFFFFFF80  }
0x16e: {  	_ =	swait.ge [sflag:s21], $0x80  }
0x16f: {  	[sflag:s21] =	ssyncset.done $0x0  }
0x170: {  	[sflag:s21] =	ssyncadd.s32 $0xFFFFFF80  }
0x171: {  	_ =	swait.ge [sflag:s23], $0x80  }
0x172: {  	[sflag:s23] =	ssyncset.done $0x0  }
0x173: {  	[sflag:s23] =	ssyncadd.s32 $0xFFFFFF80  }
0x174: {  	[hbm4b:s10+s4] =	stream.linear.scatter [tilespmem:s26], [sflag:$0x9], $0x200, $0x38;
	[tilespmem:$0x18880] =	vst v63  }
0x175: {  	s17 =	sadd.s32 $0x1, s17;
	_ =	swait.ge [sflag:s2], $0x200  }
0x176: {  	p0 =	sne.s32 s17, s12;
	[sflag:s2] =	ssyncset.done $0x0  }
.Ltmp4:
0x177: {  	[sflag:s2] =	ssyncadd.s32 $0xFFFFFE00;
	(pc) =	sbr.rel @p0 .LBB2_1-.Ltmp4, $4  }
0x178: {  	[hbm4b:s11+s4] =	stream.linear.scatter [tilespmem:s28], [sflag:$0x9], $0x200, $0x38;
	[tilespmem:$0x18880] =	vst v63  }
0x179: {  	_ =	swait.ge [sflag:s2], $0x200  }
0x17a: {  	[sflag:s2] =	ssyncset.done $0x0  }
0x17b: {  	[sflag:s2] =	ssyncadd.s32 $0xFFFFFE00  }
0x17c: {  	_ =	sfence.sel $0x180000  }
0x17d: {  	[bflag:$0x0] =	sbarrier.arrive $0xFFFF  }
0x17e: {  	_ =	strace $0x90000047  }
0x17f: {  	s0 =	stileid.u32;
	[bflag:$0x2] =	sbarrier.arrive $0xFFFF  }
0x180: {  	p0 =	sne.s32 s0, $0x0;
	s0 =	rddreg [dreg:$0x4]  }
0x181: {  	s0 =	sadd.s32 @!p0 $0x100000, s0  }
0x182: {  	[sflag:s0] =	ssyncadd.tile.s32 @!p0 $0x1;
	_ =	shalt  }
.Lfunc_end2:
_tile_overlayer_lowered:
.L_overlay_start_2:
0x183: {  	(tag) =	ssettag $0x2  }
0x184: {  	s0 =	rddreg [dreg:$0x0];
	s2 =	stileid.u32  }
0x185: {  	s1 =	rddreg [dreg:$0x1];
	p0 =	sne.s32 s2, $0x0  }
0x186: {  	s3 =	rddreg [dreg:$0x2];
	[bflag:$0x3] =	sbarrier.arrive $0xFFFF;
	s2 =	simm.s32 @!p0 $0x1C09  }
0x187: {  	[timem:s3], [sflag:s2] =	dma.local @!p0 [hbm:s0], s1  }
0x188: {  	s0 =	simm.s32 @!p0 $0x9  }
0x189: {  	_ =	swait.ge @!p0 [sflag:s0], s1  }
0x18a: {  	s1 =	ssub.s32 @!p0 $0x0, s1;
	[sflag:s0] =	ssyncset.done @!p0 $0x0  }
0x18b: {  	[sflag:s0] =	ssyncadd.s32 @!p0 s1  }
0x18c: {  	[bflag:$0x3] =	sbarrier.arrive $0xFFFF  }
0x18d: {  	_ =	shalt  }

</sc_bundles>
